<compile_context>
chip_gen: v7x
topology: tpu7x:2x2x1
jax: 0.10.2.dev20260603
libtpu: 0.0.44.dev20260713+nightly
codegen_flags: <defaults>
</compile_context>

<pallas_src>
import functools

import jax
import jax.numpy as jnp
from jax import lax
from jax.experimental import pallas as pl
from jax.experimental.pallas import tpu as pltpu
from jax.experimental.pallas import tpu_sc as plsc

N_NODES = 10000
N_EDGES = 320000
D = 128

NC = 2
NS = 16
NW = NC * NS
G = 128
GP = -(-N_EDGES // (NW * G))
E_PAD = NW * GP * G
M = 10240
RT = M // NS
RB = RT // G
CW = 16

_sc_mesh = plsc.VectorSubcoreMesh(
    core_axis_name="c", subcore_axis_name="s", num_cores=NC, num_subcores=NS)


def _sum_body(x_hbm, srcg_hbm, dstg_hbm, zrows_hbm, sum_out,
              src_v, dst_v, rows_v, acc_sh, sem):
    cid = lax.axis_index("c")
    sid = lax.axis_index("s")
    wid = sid * NC + cid
    base = sid * RT

    pltpu.sync_copy(zrows_hbm, rows_v)
    for j in range(RB):
        pltpu.sync_copy(rows_v, acc_sh.at[pl.ds(base + j * G, G)])
    plsc.subcore_barrier()

    def _edge_group(g, _):
        pltpu.sync_copy(srcg_hbm.at[wid, g], src_v)
        pltpu.sync_copy(dstg_hbm.at[wid, g], dst_v)
        pltpu.async_copy(x_hbm.at[src_v], rows_v, sem).wait()
        pltpu.sync_copy(rows_v, acc_sh.at[dst_v], add=True)
        return 0
    lax.fori_loop(0, GP, _edge_group, 0)

    plsc.subcore_barrier()
    pltpu.sync_copy(acc_sh.at[pl.ds(base, RT)], sum_out.at[cid, pl.ds(base, RT)])


_sc_sum = functools.partial(
    pl.kernel,
    out_type=jax.ShapeDtypeStruct((NC, M, D), jnp.float32),
    mesh=_sc_mesh,
    scratch_types=[
        pltpu.VMEM((G,), jnp.int32),
        pltpu.VMEM((G,), jnp.int32),
        pltpu.VMEM((G, D), jnp.float32),
        pltpu.VMEM_SHARED((M, D), jnp.float32),
        pltpu.SemaphoreType.DMA,
    ],
)(_sum_body)


def _tc_body(s0, s1, c0, c1, xb, wl, wr, bl, ob):
    cnt = c0[:, 0:1] + c1[:, 0:1]
    inv = 1.0 / jnp.maximum(cnt, 1.0)
    agg = (s0[...] + s1[...]) * inv
    out = lax.dot_general(agg, wl[...], (((1,), (1,)), ((), ())),
                          preferred_element_type=jnp.float32)
    out = out + bl[...]
    out = out + lax.dot_general(xb[...], wr[...], (((1,), (1,)), ((), ())),
                                preferred_element_type=jnp.float32)
    nrm = jnp.sqrt(jnp.sum(out * out, axis=1, keepdims=True))
    ob[...] = out / jnp.maximum(nrm, 1e-12)


def _tc_finish(s0, s1, c0, c1, x_pad, W_l, b_l, W_r):
    R = 1024
    grid = (M // R,)
    return pl.pallas_call(
        _tc_body,
        grid=grid,
        in_specs=[
            pl.BlockSpec((R, D), lambda i: (i, 0)),
            pl.BlockSpec((R, D), lambda i: (i, 0)),
            pl.BlockSpec((R, D), lambda i: (i, 0)),
            pl.BlockSpec((R, D), lambda i: (i, 0)),
            pl.BlockSpec((R, D), lambda i: (i, 0)),
            pl.BlockSpec((D, D), lambda i: (0, 0)),
            pl.BlockSpec((D, D), lambda i: (0, 0)),
            pl.BlockSpec((1, D), lambda i: (0, 0)),
        ],
        out_specs=pl.BlockSpec((R, D), lambda i: (i, 0)),
        out_shape=jax.ShapeDtypeStruct((M, D), jnp.float32),
    )(s0, s1, c0, c1, x_pad, W_l, W_r, b_l.reshape(1, D))


def kernel(x, edge_index, W_l, b_l, W_r):
    src = edge_index[0].astype(jnp.int32)
    dst = edge_index[1].astype(jnp.int32)
    pad = E_PAD - N_EDGES
    src = jnp.concatenate([src, jnp.zeros((pad,), jnp.int32)])
    dst = jnp.concatenate([dst, jnp.full((pad,), N_NODES, jnp.int32)])
    srcg = src.reshape(NW, GP, G)
    dstg = dst.reshape(NW, GP, G)
    x_pad = jnp.pad(x, ((0, M - N_NODES), (0, 0)))
    zrows = jnp.zeros((G, D), jnp.float32)
    ones_tbl = jnp.ones((M, D), jnp.float32)

    sum_part = _sc_sum(x_pad, srcg, dstg, zrows)
    cnt_part = _sc_sum(ones_tbl, srcg, dstg, zrows)

    out = _tc_finish(sum_part[0], sum_part[1], cnt_part[0], cnt_part[1],
                     x_pad, W_l, b_l, W_r)
    return out[:N_NODES]

# --- scband reference (transcript-rebuilt; emitter-appended) ---
"""Pipeline reference for scband-sage-layer-34591666602119 (READ-ONLY COPY).

The authoritative reference and input builder live on the scoring server;
editing this copy changes nothing except your own understanding.
"""

import jax, jax.numpy as jnp
import numpy as np

N_NODES = 10000
N_EDGES = 320000
DIM = 128


def setup_inputs(seed: int = 0) -> dict:
    key = jax.random.key(seed)
    k1, k2, k3, k4 = jax.random.split(key, 4)
    x = jax.random.normal(k1, (N_NODES, DIM), dtype=jnp.float32)
    edge_index = jax.random.randint(k2, (2, N_EDGES), 0, N_NODES)
    # SAGEConv(dim, dim) parameters: lin_l (neighbor transform, with bias), lin_r (root transform, no bias)
    bound = 1.0 / np.sqrt(DIM)
    W_l = jax.random.uniform(k3, (DIM, DIM), minval=-bound, maxval=bound, dtype=jnp.float32)
    b_l = jnp.zeros((DIM,), dtype=jnp.float32)
    W_r = jax.random.uniform(k4, (DIM, DIM), minval=-bound, maxval=bound, dtype=jnp.float32)
    return {"x": x, "edge_index": edge_index, "W_l": W_l, "b_l": b_l, "W_r": W_r}


def reference(x, edge_index, W_l, b_l, W_r):
    # PyG SAGEConv with aggr='mean', normalize=True:
    #   agg_i = mean_{j in N(i)} x_j  (messages gathered from src=edge_index[0], scattered to dst=edge_index[1])
    #   out   = lin_l(agg) + lin_r(x)
    #   out   = F.normalize(out, p=2, dim=-1)
    N = x.shape[0]
    src = edge_index[0]
    dst = edge_index[1]
    msgs = jnp.take(x, src, axis=0)  # gather source node features [E, D]
    summed = jax.ops.segment_sum(msgs, dst, num_segments=N)  # scatter-add to dst [N, D]
    counts = jax.ops.segment_sum(jnp.ones((msgs.shape[0],), dtype=x.dtype), dst, num_segments=N)
    agg = summed / jnp.clip(counts, 1.0, None)[:, None]  # mean with clamp(count, min=1)
    out = agg @ W_l.T + b_l + x @ W_r.T
    norm = jnp.sqrt(jnp.sum(out * out, axis=-1, keepdims=True))
    out = out / jnp.maximum(norm, 1e-12)
    return out

if __name__ == "__main__":
    import jax
    _d = setup_inputs()
    print(jax.jit(kernel)(*tuple(_d.values())))

</pallas_src>

<mosaic_0001>
#map = affine_map<(d0, d1) -> (0, 0)>
#map1 = affine_map<(d0, d1) -> (0, 0, 0)>
module attributes {stable_mosaic.version = 14 : i64} {
  func.func @_sum_body(%arg0: i32, %arg1: i32, %arg2: memref<10240x128xf32, #tpu.memory_space<hbm>>, %arg3: memref<32x79x128xi32, #tpu.memory_space<hbm>>, %arg4: memref<32x79x128xi32, #tpu.memory_space<hbm>>, %arg5: memref<128x128xf32, #tpu.memory_space<hbm>>, %arg6: memref<2x10240x128xf32, #tpu.memory_space<hbm>>, %arg7: memref<128xi32, #tpu.memory_space<vmem>>, %arg8: memref<128xi32, #tpu.memory_space<vmem>>, %arg9: memref<128x128xf32, #tpu.memory_space<vmem>>, %arg10: memref<10240x128xf32, #tpu.memory_space<vmem_shared>>, %arg11: memref<!tpu.dma_semaphore, #tpu.memory_space<semaphore_mem>>) attributes {dimension_semantics = [#tpu.dimension_semantics<core_parallel>, #tpu.dimension_semantics<subcore_parallel>], iteration_bounds = array<i64: 2, 16>, scalar_prefetch = 0 : i64, scratch_operands = 5 : i64, tpu.core_type = #tpu.core_type<sc_vector_subcore>, window_params = [{transform_indices = #map}, {transform_indices = #map1}, {transform_indices = #map1}, {transform_indices = #map}, {transform_indices = #map1}]} {
    %mul3A = arith.constant 2 : i32
    %mul3A_0 = arith.muli %arg1, %mul3A : i32
    %add3A = arith.addi %mul3A_0, %arg0 : i32
    %mul3A_1 = arith.constant 640 : i32
    %mul3A_2 = arith.muli %arg1, %mul3A_1 : i32
    "tpu.region"() ({
      %run_scoped3A = tpu.sem_alloc : memref<!tpu.dma_semaphore, #tpu.memory_space<semaphore_mem>>
      tpu.enqueue_dma source(%arg5 : memref<128x128xf32, #tpu.memory_space<hbm>>) target(%arg9 : memref<128x128xf32, #tpu.memory_space<vmem>>) target_semaphore(%run_scoped3A : memref<!tpu.dma_semaphore, #tpu.memory_space<semaphore_mem>>)
      tpu.wait_dma2 semaphore(%run_scoped3A : memref<!tpu.dma_semaphore, #tpu.memory_space<semaphore_mem>>) src(%arg5 : memref<128x128xf32, #tpu.memory_space<hbm>>) dst(%arg9 : memref<128x128xf32, #tpu.memory_space<vmem>>)
      tpu.yield
    }) : () -> ()
    %add3A_3 = arith.constant 0 : i32
    %add3A_4 = arith.addi %mul3A_2, %add3A_3 : i32
    "tpu.region"() ({
      %run_scoped3A = tpu.sem_alloc : memref<!tpu.dma_semaphore, #tpu.memory_space<semaphore_mem>>
      %dma_start3A = arith.constant 0 : i32
      %dma_start3A_20 = tpu.memref_slice %arg10[%add3A_4, %dma_start3A] : memref<10240x128xf32, #tpu.memory_space<vmem_shared>> -> memref<128x128xf32, #tpu.memory_space<vmem_shared>>
      %dma_start3A_21 = arith.constant 0 : i32
      %dma_start3A_22 = tpu.memref_slice %arg10[%add3A_4, %dma_start3A_21] : memref<10240x128xf32, #tpu.memory_space<vmem_shared>> -> memref<128x128xf32, #tpu.memory_space<vmem_shared>>
      tpu.enqueue_dma source(%arg9 : memref<128x128xf32, #tpu.memory_space<vmem>>) target(%dma_start3A_22 : memref<128x128xf32, #tpu.memory_space<vmem_shared>>) target_semaphore(%run_scoped3A : memref<!tpu.dma_semaphore, #tpu.memory_space<semaphore_mem>>)
      %dma_wait3A = arith.constant 0 : i32
      %dma_wait3A_23 = tpu.memref_slice %arg10[%add3A_4, %dma_wait3A] : memref<10240x128xf32, #tpu.memory_space<vmem_shared>> -> memref<128x128xf32, #tpu.memory_space<vmem_shared>>
      %dma_wait3A_24 = arith.constant 0 : i32
      %dma_wait3A_25 = tpu.memref_slice %arg10[%add3A_4, %dma_wait3A_24] : memref<10240x128xf32, #tpu.memory_space<vmem_shared>> -> memref<128x128xf32, #tpu.memory_space<vmem_shared>>
      tpu.wait_dma2 semaphore(%run_scoped3A : memref<!tpu.dma_semaphore, #tpu.memory_space<semaphore_mem>>) src(%arg9 : memref<128x128xf32, #tpu.memory_space<vmem>>) dst(%dma_wait3A_25 : memref<128x128xf32, #tpu.memory_space<vmem_shared>>)
      tpu.yield
    }) : () -> ()
    %add3A_5 = arith.constant 128 : i32
    %add3A_6 = arith.addi %mul3A_2, %add3A_5 : i32
    "tpu.region"() ({
      %run_scoped3A = tpu.sem_alloc : memref<!tpu.dma_semaphore, #tpu.memory_space<semaphore_mem>>
      %dma_start3A = arith.constant 0 : i32
      %dma_start3A_20 = tpu.memref_slice %arg10[%add3A_6, %dma_start3A] : memref<10240x128xf32, #tpu.memory_space<vmem_shared>> -> memref<128x128xf32, #tpu.memory_space<vmem_shared>>
      %dma_start3A_21 = arith.constant 0 : i32
      %dma_start3A_22 = tpu.memref_slice %arg10[%add3A_6, %dma_start3A_21] : memref<10240x128xf32, #tpu.memory_space<vmem_shared>> -> memref<128x128xf32, #tpu.memory_space<vmem_shared>>
      tpu.enqueue_dma source(%arg9 : memref<128x128xf32, #tpu.memory_space<vmem>>) target(%dma_start3A_22 : memref<128x128xf32, #tpu.memory_space<vmem_shared>>) target_semaphore(%run_scoped3A : memref<!tpu.dma_semaphore, #tpu.memory_space<semaphore_mem>>)
      %dma_wait3A = arith.constant 0 : i32
      %dma_wait3A_23 = tpu.memref_slice %arg10[%add3A_6, %dma_wait3A] : memref<10240x128xf32, #tpu.memory_space<vmem_shared>> -> memref<128x128xf32, #tpu.memory_space<vmem_shared>>
      %dma_wait3A_24 = arith.constant 0 : i32
      %dma_wait3A_25 = tpu.memref_slice %arg10[%add3A_6, %dma_wait3A_24] : memref<10240x128xf32, #tpu.memory_space<vmem_shared>> -> memref<128x128xf32, #tpu.memory_space<vmem_shared>>
      tpu.wait_dma2 semaphore(%run_scoped3A : memref<!tpu.dma_semaphore, #tpu.memory_space<semaphore_mem>>) src(%arg9 : memref<128x128xf32, #tpu.memory_space<vmem>>) dst(%dma_wait3A_25 : memref<128x128xf32, #tpu.memory_space<vmem_shared>>)
      tpu.yield
    }) : () -> ()
    %add3A_7 = arith.constant 256 : i32
    %add3A_8 = arith.addi %mul3A_2, %add3A_7 : i32
    "tpu.region"() ({
      %run_scoped3A = tpu.sem_alloc : memref<!tpu.dma_semaphore, #tpu.memory_space<semaphore_mem>>
      %dma_start3A = arith.constant 0 : i32
      %dma_start3A_20 = tpu.memref_slice %arg10[%add3A_8, %dma_start3A] : memref<10240x128xf32, #tpu.memory_space<vmem_shared>> -> memref<128x128xf32, #tpu.memory_space<vmem_shared>>
      %dma_start3A_21 = arith.constant 0 : i32
      %dma_start3A_22 = tpu.memref_slice %arg10[%add3A_8, %dma_start3A_21] : memref<10240x128xf32, #tpu.memory_space<vmem_shared>> -> memref<128x128xf32, #tpu.memory_space<vmem_shared>>
      tpu.enqueue_dma source(%arg9 : memref<128x128xf32, #tpu.memory_space<vmem>>) target(%dma_start3A_22 : memref<128x128xf32, #tpu.memory_space<vmem_shared>>) target_semaphore(%run_scoped3A : memref<!tpu.dma_semaphore, #tpu.memory_space<semaphore_mem>>)
      %dma_wait3A = arith.constant 0 : i32
      %dma_wait3A_23 = tpu.memref_slice %arg10[%add3A_8, %dma_wait3A] : memref<10240x128xf32, #tpu.memory_space<vmem_shared>> -> memref<128x128xf32, #tpu.memory_space<vmem_shared>>
      %dma_wait3A_24 = arith.constant 0 : i32
      %dma_wait3A_25 = tpu.memref_slice %arg10[%add3A_8, %dma_wait3A_24] : memref<10240x128xf32, #tpu.memory_space<vmem_shared>> -> memref<128x128xf32, #tpu.memory_space<vmem_shared>>
      tpu.wait_dma2 semaphore(%run_scoped3A : memref<!tpu.dma_semaphore, #tpu.memory_space<semaphore_mem>>) src(%arg9 : memref<128x128xf32, #tpu.memory_space<vmem>>) dst(%dma_wait3A_25 : memref<128x128xf32, #tpu.memory_space<vmem_shared>>)
      tpu.yield
    }) : () -> ()
    %add3A_9 = arith.constant 384 : i32
    %add3A_10 = arith.addi %mul3A_2, %add3A_9 : i32
    "tpu.region"() ({
      %run_scoped3A = tpu.sem_alloc : memref<!tpu.dma_semaphore, #tpu.memory_space<semaphore_mem>>
      %dma_start3A = arith.constant 0 : i32
      %dma_start3A_20 = tpu.memref_slice %arg10[%add3A_10, %dma_start3A] : memref<10240x128xf32, #tpu.memory_space<vmem_shared>> -> memref<128x128xf32, #tpu.memory_space<vmem_shared>>
      %dma_start3A_21 = arith.constant 0 : i32
      %dma_start3A_22 = tpu.memref_slice %arg10[%add3A_10, %dma_start3A_21] : memref<10240x128xf32, #tpu.memory_space<vmem_shared>> -> memref<128x128xf32, #tpu.memory_space<vmem_shared>>
      tpu.enqueue_dma source(%arg9 : memref<128x128xf32, #tpu.memory_space<vmem>>) target(%dma_start3A_22 : memref<128x128xf32, #tpu.memory_space<vmem_shared>>) target_semaphore(%run_scoped3A : memref<!tpu.dma_semaphore, #tpu.memory_space<semaphore_mem>>)
      %dma_wait3A = arith.constant 0 : i32
      %dma_wait3A_23 = tpu.memref_slice %arg10[%add3A_10, %dma_wait3A] : memref<10240x128xf32, #tpu.memory_space<vmem_shared>> -> memref<128x128xf32, #tpu.memory_space<vmem_shared>>
      %dma_wait3A_24 = arith.constant 0 : i32
      %dma_wait3A_25 = tpu.memref_slice %arg10[%add3A_10, %dma_wait3A_24] : memref<10240x128xf32, #tpu.memory_space<vmem_shared>> -> memref<128x128xf32, #tpu.memory_space<vmem_shared>>
      tpu.wait_dma2 semaphore(%run_scoped3A : memref<!tpu.dma_semaphore, #tpu.memory_space<semaphore_mem>>) src(%arg9 : memref<128x128xf32, #tpu.memory_space<vmem>>) dst(%dma_wait3A_25 : memref<128x128xf32, #tpu.memory_space<vmem_shared>>)
      tpu.yield
    }) : () -> ()
    %add3A_11 = arith.constant 512 : i32
    %add3A_12 = arith.addi %mul3A_2, %add3A_11 : i32
    "tpu.region"() ({
      %run_scoped3A = tpu.sem_alloc : memref<!tpu.dma_semaphore, #tpu.memory_space<semaphore_mem>>
      %dma_start3A = arith.constant 0 : i32
      %dma_start3A_20 = tpu.memref_slice %arg10[%add3A_12, %dma_start3A] : memref<10240x128xf32, #tpu.memory_space<vmem_shared>> -> memref<128x128xf32, #tpu.memory_space<vmem_shared>>
      %dma_start3A_21 = arith.constant 0 : i32
      %dma_start3A_22 = tpu.memref_slice %arg10[%add3A_12, %dma_start3A_21] : memref<10240x128xf32, #tpu.memory_space<vmem_shared>> -> memref<128x128xf32, #tpu.memory_space<vmem_shared>>
      tpu.enqueue_dma source(%arg9 : memref<128x128xf32, #tpu.memory_space<vmem>>) target(%dma_start3A_22 : memref<128x128xf32, #tpu.memory_space<vmem_shared>>) target_semaphore(%run_scoped3A : memref<!tpu.dma_semaphore, #tpu.memory_space<semaphore_mem>>)
      %dma_wait3A = arith.constant 0 : i32
      %dma_wait3A_23 = tpu.memref_slice %arg10[%add3A_12, %dma_wait3A] : memref<10240x128xf32, #tpu.memory_space<vmem_shared>> -> memref<128x128xf32, #tpu.memory_space<vmem_shared>>
      %dma_wait3A_24 = arith.constant 0 : i32
      %dma_wait3A_25 = tpu.memref_slice %arg10[%add3A_12, %dma_wait3A_24] : memref<10240x128xf32, #tpu.memory_space<vmem_shared>> -> memref<128x128xf32, #tpu.memory_space<vmem_shared>>
      tpu.wait_dma2 semaphore(%run_scoped3A : memref<!tpu.dma_semaphore, #tpu.memory_space<semaphore_mem>>) src(%arg9 : memref<128x128xf32, #tpu.memory_space<vmem>>) dst(%dma_wait3A_25 : memref<128x128xf32, #tpu.memory_space<vmem_shared>>)
      tpu.yield
    }) : () -> ()
    %barrier3A = arith.constant 0 : index
    tpu.barrier barrier_id(%barrier3A)
    %scan3A = arith.constant 0 : i32
    %scan3A_13 = arith.constant 0 : i32
    %scan3A_14 = arith.constant 79 : i32
    %scan3A_15 = arith.addi %scan3A_13, %scan3A_14 : i32
    %scan3A_16 = arith.constant 1 : i32
    %scan3A_17 = scf.for %scan3A_20 = %scan3A_13 to %scan3A_15 step %scan3A_16 iter_args(%scan3A_21 = %scan3A) -> (i32)  : i32 {
      "tpu.region"() ({
        %run_scoped3A = tpu.sem_alloc : memref<!tpu.dma_semaphore, #tpu.memory_space<semaphore_mem>>
        %dma_start3A_27 = arith.constant 0 : i32
        %dma_start3A_28 = tpu.memref_slice %arg3[%add3A, %scan3A_20, %dma_start3A_27] : memref<32x79x128xi32, #tpu.memory_space<hbm>> -> memref<1x1x128xi32, #tpu.memory_space<hbm>>
        %dma_start3A_29 = tpu.memref_squeeze %dma_start3A_28 : memref<1x1x128xi32, #tpu.memory_space<hbm>> -> memref<128xi32, #tpu.memory_space<hbm>>
        %dma_start3A_30 = arith.constant 0 : i32
        %dma_start3A_31 = tpu.memref_slice %arg3[%add3A, %scan3A_20, %dma_start3A_30] : memref<32x79x128xi32, #tpu.memory_space<hbm>> -> memref<1x1x128xi32, #tpu.memory_space<hbm>>
        %dma_start3A_32 = tpu.memref_squeeze %dma_start3A_31 : memref<1x1x128xi32, #tpu.memory_space<hbm>> -> memref<128xi32, #tpu.memory_space<hbm>>
        tpu.enqueue_dma source(%dma_start3A_32 : memref<128xi32, #tpu.memory_space<hbm>>) target(%arg7 : memref<128xi32, #tpu.memory_space<vmem>>) target_semaphore(%run_scoped3A : memref<!tpu.dma_semaphore, #tpu.memory_space<semaphore_mem>>)
        %dma_wait3A_33 = arith.constant 0 : i32
        %dma_wait3A_34 = tpu.memref_slice %arg3[%add3A, %scan3A_20, %dma_wait3A_33] : memref<32x79x128xi32, #tpu.memory_space<hbm>> -> memref<1x1x128xi32, #tpu.memory_space<hbm>>
        %dma_wait3A_35 = tpu.memref_squeeze %dma_wait3A_34 : memref<1x1x128xi32, #tpu.memory_space<hbm>> -> memref<128xi32, #tpu.memory_space<hbm>>
        %dma_wait3A_36 = arith.constant 0 : i32
        %dma_wait3A_37 = tpu.memref_slice %arg3[%add3A, %scan3A_20, %dma_wait3A_36] : memref<32x79x128xi32, #tpu.memory_space<hbm>> -> memref<1x1x128xi32, #tpu.memory_space<hbm>>
        %dma_wait3A_38 = tpu.memref_squeeze %dma_wait3A_37 : memref<1x1x128xi32, #tpu.memory_space<hbm>> -> memref<128xi32, #tpu.memory_space<hbm>>
        tpu.wait_dma2 semaphore(%run_scoped3A : memref<!tpu.dma_semaphore, #tpu.memory_space<semaphore_mem>>) src(%dma_wait3A_38 : memref<128xi32, #tpu.memory_space<hbm>>) dst(%arg7 : memref<128xi32, #tpu.memory_space<vmem>>)
        tpu.yield
      }) : () -> ()
      "tpu.region"() ({
        %run_scoped3A = tpu.sem_alloc : memref<!tpu.dma_semaphore, #tpu.memory_space<semaphore_mem>>
        %dma_start3A_27 = arith.constant 0 : i32
        %dma_start3A_28 = tpu.memref_slice %arg4[%add3A, %scan3A_20, %dma_start3A_27] : memref<32x79x128xi32, #tpu.memory_space<hbm>> -> memref<1x1x128xi32, #tpu.memory_space<hbm>>
        %dma_start3A_29 = tpu.memref_squeeze %dma_start3A_28 : memref<1x1x128xi32, #tpu.memory_space<hbm>> -> memref<128xi32, #tpu.memory_space<hbm>>
        %dma_start3A_30 = arith.constant 0 : i32
        %dma_start3A_31 = tpu.memref_slice %arg4[%add3A, %scan3A_20, %dma_start3A_30] : memref<32x79x128xi32, #tpu.memory_space<hbm>> -> memref<1x1x128xi32, #tpu.memory_space<hbm>>
        %dma_start3A_32 = tpu.memref_squeeze %dma_start3A_31 : memref<1x1x128xi32, #tpu.memory_space<hbm>> -> memref<128xi32, #tpu.memory_space<hbm>>
        tpu.enqueue_dma source(%dma_start3A_32 : memref<128xi32, #tpu.memory_space<hbm>>) target(%arg8 : memref<128xi32, #tpu.memory_space<vmem>>) target_semaphore(%run_scoped3A : memref<!tpu.dma_semaphore, #tpu.memory_space<semaphore_mem>>)
        %dma_wait3A_33 = arith.constant 0 : i32
        %dma_wait3A_34 = tpu.memref_slice %arg4[%add3A, %scan3A_20, %dma_wait3A_33] : memref<32x79x128xi32, #tpu.memory_space<hbm>> -> memref<1x1x128xi32, #tpu.memory_space<hbm>>
        %dma_wait3A_35 = tpu.memref_squeeze %dma_wait3A_34 : memref<1x1x128xi32, #tpu.memory_space<hbm>> -> memref<128xi32, #tpu.memory_space<hbm>>
        %dma_wait3A_36 = arith.constant 0 : i32
        %dma_wait3A_37 = tpu.memref_slice %arg4[%add3A, %scan3A_20, %dma_wait3A_36] : memref<32x79x128xi32, #tpu.memory_space<hbm>> -> memref<1x1x128xi32, #tpu.memory_space<hbm>>
        %dma_wait3A_38 = tpu.memref_squeeze %dma_wait3A_37 : memref<1x1x128xi32, #tpu.memory_space<hbm>> -> memref<128xi32, #tpu.memory_space<hbm>>
        tpu.wait_dma2 semaphore(%run_scoped3A : memref<!tpu.dma_semaphore, #tpu.memory_space<semaphore_mem>>) src(%dma_wait3A_38 : memref<128xi32, #tpu.memory_space<hbm>>) dst(%arg8 : memref<128xi32, #tpu.memory_space<vmem>>)
        tpu.yield
      }) : () -> ()
      %dma_start3A = arith.constant 0 : i32
      %dma_start3A_22 = arith.constant 0 : i32
      %dma_start3A_23 = tpu.memref_slice %arg2[%dma_start3A, %dma_start3A_22] : memref<10240x128xf32, #tpu.memory_space<hbm>> -> memref<10240x128xf32, #tpu.memory_space<hbm>>
      tpu.enqueue_indirect_dma source(%dma_start3A_23 : memref<10240x128xf32, #tpu.memory_space<hbm>>) target(%arg9 : memref<128x128xf32, #tpu.memory_space<vmem>>) offsets(%arg7 : memref<128xi32, #tpu.memory_space<vmem>>) semaphore(%arg11 : memref<!tpu.dma_semaphore, #tpu.memory_space<semaphore_mem>>)
      %dma_wait3A = arith.constant 0 : i32
      %dma_wait3A_24 = arith.constant 0 : i32
      %dma_wait3A_25 = tpu.memref_slice %arg2[%dma_wait3A, %dma_wait3A_24] : memref<10240x128xf32, #tpu.memory_space<hbm>> -> memref<10240x128xf32, #tpu.memory_space<hbm>>
      tpu.wait_indirect_dma semaphore(%arg11 : memref<!tpu.dma_semaphore, #tpu.memory_space<semaphore_mem>>) src(%dma_wait3A_25 : memref<10240x128xf32, #tpu.memory_space<hbm>>) dst(%arg9 : memref<128x128xf32, #tpu.memory_space<vmem>>)
      "tpu.region"() ({
        %run_scoped3A = tpu.sem_alloc : memref<!tpu.dma_semaphore, #tpu.memory_space<semaphore_mem>>
        %dma_start3A_27 = arith.constant 0 : i32
        %dma_start3A_28 = arith.constant 0 : i32
        %dma_start3A_29 = tpu.memref_slice %arg10[%dma_start3A_27, %dma_start3A_28] : memref<10240x128xf32, #tpu.memory_space<vmem_shared>> -> memref<10240x128xf32, #tpu.memory_space<vmem_shared>>
        tpu.enqueue_indirect_dma source(%arg9 : memref<128x128xf32, #tpu.memory_space<vmem>>) target(%dma_start3A_29 : memref<10240x128xf32, #tpu.memory_space<vmem_shared>>) offsets(%arg8 : memref<128xi32, #tpu.memory_space<vmem>>) semaphore(%run_scoped3A : memref<!tpu.dma_semaphore, #tpu.memory_space<semaphore_mem>>) {add = true}
        %dma_wait3A_30 = arith.constant 0 : i32
        %dma_wait3A_31 = arith.constant 0 : i32
        %dma_wait3A_32 = tpu.memref_slice %arg10[%dma_wait3A_30, %dma_wait3A_31] : memref<10240x128xf32, #tpu.memory_space<vmem_shared>> -> memref<10240x128xf32, #tpu.memory_space<vmem_shared>>
        tpu.wait_indirect_dma semaphore(%run_scoped3A : memref<!tpu.dma_semaphore, #tpu.memory_space<semaphore_mem>>) src(%arg9 : memref<128x128xf32, #tpu.memory_space<vmem>>) dst(%dma_wait3A_32 : memref<10240x128xf32, #tpu.memory_space<vmem_shared>>)
        tpu.yield
      }) : () -> ()
      %scan3A_26 = arith.constant 0 : i32
      scf.yield %scan3A_26 : i32
    }
    %scan3A_18 = arith.constant 79 : i32
    %barrier3A_19 = arith.constant 0 : index
    tpu.barrier barrier_id(%barrier3A_19)
    "tpu.region"() ({
      %run_scoped3A = tpu.sem_alloc : memref<!tpu.dma_semaphore, #tpu.memory_space<semaphore_mem>>
      %dma_start3A = arith.constant 0 : i32
      %dma_start3A_20 = tpu.memref_slice %arg6[%arg0, %mul3A_2, %dma_start3A] : memref<2x10240x128xf32, #tpu.memory_space<hbm>> -> memref<1x640x128xf32, #tpu.memory_space<hbm>>
      %dma_start3A_21 = tpu.memref_squeeze %dma_start3A_20 : memref<1x640x128xf32, #tpu.memory_space<hbm>> -> memref<640x128xf32, #tpu.memory_space<hbm>>
      %dma_start3A_22 = arith.constant 0 : i32
      %dma_start3A_23 = tpu.memref_slice %arg10[%mul3A_2, %dma_start3A_22] : memref<10240x128xf32, #tpu.memory_space<vmem_shared>> -> memref<640x128xf32, #tpu.memory_space<vmem_shared>>
      tpu.enqueue_dma source(%dma_start3A_23 : memref<640x128xf32, #tpu.memory_space<vmem_shared>>) target(%dma_start3A_21 : memref<640x128xf32, #tpu.memory_space<hbm>>) target_semaphore(%run_scoped3A : memref<!tpu.dma_semaphore, #tpu.memory_space<semaphore_mem>>)
      %dma_wait3A = arith.constant 0 : i32
      %dma_wait3A_24 = tpu.memref_slice %arg6[%arg0, %mul3A_2, %dma_wait3A] : memref<2x10240x128xf32, #tpu.memory_space<hbm>> -> memref<1x640x128xf32, #tpu.memory_space<hbm>>
      %dma_wait3A_25 = tpu.memref_squeeze %dma_wait3A_24 : memref<1x640x128xf32, #tpu.memory_space<hbm>> -> memref<640x128xf32, #tpu.memory_space<hbm>>
      %dma_wait3A_26 = arith.constant 0 : i32
      %dma_wait3A_27 = tpu.memref_slice %arg10[%mul3A_2, %dma_wait3A_26] : memref<10240x128xf32, #tpu.memory_space<vmem_shared>> -> memref<640x128xf32, #tpu.memory_space<vmem_shared>>
      tpu.wait_dma2 semaphore(%run_scoped3A : memref<!tpu.dma_semaphore, #tpu.memory_space<semaphore_mem>>) src(%dma_wait3A_27 : memref<640x128xf32, #tpu.memory_space<vmem_shared>>) dst(%dma_wait3A_25 : memref<640x128xf32, #tpu.memory_space<hbm>>)
      tpu.yield
    }) : () -> ()
    return
  }
}

#map = affine_map<(d0, d1) -> (0, 0)>
#map1 = affine_map<(d0, d1) -> (0, 0, 0)>
module attributes {stable_mosaic.version = 14 : i64} {
  func.func @_sum_body(%arg0: i32, %arg1: i32, %arg2: memref<10240x128xf32, #tpu.memory_space<hbm>>, %arg3: memref<32x79x128xi32, #tpu.memory_space<hbm>>, %arg4: memref<32x79x128xi32, #tpu.memory_space<hbm>>, %arg5: memref<128x128xf32, #tpu.memory_space<hbm>>, %arg6: memref<2x10240x128xf32, #tpu.memory_space<hbm>>, %arg7: memref<128xi32, #tpu.memory_space<vmem>>, %arg8: memref<128xi32, #tpu.memory_space<vmem>>, %arg9: memref<128x128xf32, #tpu.memory_space<vmem>>, %arg10: memref<10240x128xf32, #tpu.memory_space<vmem_shared>>, %arg11: memref<!tpu.dma_semaphore, #tpu.memory_space<semaphore_mem>>) attributes {dimension_semantics = [#tpu.dimension_semantics<core_parallel>, #tpu.dimension_semantics<subcore_parallel>], iteration_bounds = array<i64: 2, 16>, scalar_prefetch = 0 : i64, scratch_operands = 5 : i64, tpu.core_type = #tpu.core_type<sc_vector_subcore>, window_params = [{transform_indices = #map}, {transform_indices = #map1}, {transform_indices = #map1}, {transform_indices = #map}, {transform_indices = #map1}]} {
    %mul3A = arith.constant 2 : i32
    %mul3A_0 = arith.muli %arg1, %mul3A : i32
    %add3A = arith.addi %mul3A_0, %arg0 : i32
    %mul3A_1 = arith.constant 640 : i32
    %mul3A_2 = arith.muli %arg1, %mul3A_1 : i32
    "tpu.region"() ({
      %run_scoped3A = tpu.sem_alloc : memref<!tpu.dma_semaphore, #tpu.memory_space<semaphore_mem>>
      tpu.enqueue_dma source(%arg5 : memref<128x128xf32, #tpu.memory_space<hbm>>) target(%arg9 : memref<128x128xf32, #tpu.memory_space<vmem>>) target_semaphore(%run_scoped3A : memref<!tpu.dma_semaphore, #tpu.memory_space<semaphore_mem>>)
      tpu.wait_dma2 semaphore(%run_scoped3A : memref<!tpu.dma_semaphore, #tpu.memory_space<semaphore_mem>>) src(%arg5 : memref<128x128xf32, #tpu.memory_space<hbm>>) dst(%arg9 : memref<128x128xf32, #tpu.memory_space<vmem>>)
      tpu.yield
    }) : () -> ()
    %add3A_3 = arith.constant 0 : i32
    %add3A_4 = arith.addi %mul3A_2, %add3A_3 : i32
    "tpu.region"() ({
      %run_scoped3A = tpu.sem_alloc : memref<!tpu.dma_semaphore, #tpu.memory_space<semaphore_mem>>
      %dma_start3A = arith.constant 0 : i32
      %dma_start3A_20 = tpu.memref_slice %arg10[%add3A_4, %dma_start3A] : memref<10240x128xf32, #tpu.memory_space<vmem_shared>> -> memref<128x128xf32, #tpu.memory_space<vmem_shared>>
      %dma_start3A_21 = arith.constant 0 : i32
      %dma_start3A_22 = tpu.memref_slice %arg10[%add3A_4, %dma_start3A_21] : memref<10240x128xf32, #tpu.memory_space<vmem_shared>> -> memref<128x128xf32, #tpu.memory_space<vmem_shared>>
      tpu.enqueue_dma source(%arg9 : memref<128x128xf32, #tpu.memory_space<vmem>>) target(%dma_start3A_22 : memref<128x128xf32, #tpu.memory_space<vmem_shared>>) target_semaphore(%run_scoped3A : memref<!tpu.dma_semaphore, #tpu.memory_space<semaphore_mem>>)
      %dma_wait3A = arith.constant 0 : i32
      %dma_wait3A_23 = tpu.memref_slice %arg10[%add3A_4, %dma_wait3A] : memref<10240x128xf32, #tpu.memory_space<vmem_shared>> -> memref<128x128xf32, #tpu.memory_space<vmem_shared>>
      %dma_wait3A_24 = arith.constant 0 : i32
      %dma_wait3A_25 = tpu.memref_slice %arg10[%add3A_4, %dma_wait3A_24] : memref<10240x128xf32, #tpu.memory_space<vmem_shared>> -> memref<128x128xf32, #tpu.memory_space<vmem_shared>>
      tpu.wait_dma2 semaphore(%run_scoped3A : memref<!tpu.dma_semaphore, #tpu.memory_space<semaphore_mem>>) src(%arg9 : memref<128x128xf32, #tpu.memory_space<vmem>>) dst(%dma_wait3A_25 : memref<128x128xf32, #tpu.memory_space<vmem_shared>>)
      tpu.yield
    }) : () -> ()
    %add3A_5 = arith.constant 128 : i32
    %add3A_6 = arith.addi %mul3A_2, %add3A_5 : i32
    "tpu.region"() ({
      %run_scoped3A = tpu.sem_alloc : memref<!tpu.dma_semaphore, #tpu.memory_space<semaphore_mem>>
      %dma_start3A = arith.constant 0 : i32
      %dma_start3A_20 = tpu.memref_slice %arg10[%add3A_6, %dma_start3A] : memref<10240x128xf32, #tpu.memory_space<vmem_shared>> -> memref<128x128xf32, #tpu.memory_space<vmem_shared>>
      %dma_start3A_21 = arith.constant 0 : i32
      %dma_start3A_22 = tpu.memref_slice %arg10[%add3A_6, %dma_start3A_21] : memref<10240x128xf32, #tpu.memory_space<vmem_shared>> -> memref<128x128xf32, #tpu.memory_space<vmem_shared>>
      tpu.enqueue_dma source(%arg9 : memref<128x128xf32, #tpu.memory_space<vmem>>) target(%dma_start3A_22 : memref<128x128xf32, #tpu.memory_space<vmem_shared>>) target_semaphore(%run_scoped3A : memref<!tpu.dma_semaphore, #tpu.memory_space<semaphore_mem>>)
      %dma_wait3A = arith.constant 0 : i32
      %dma_wait3A_23 = tpu.memref_slice %arg10[%add3A_6, %dma_wait3A] : memref<10240x128xf32, #tpu.memory_space<vmem_shared>> -> memref<128x128xf32, #tpu.memory_space<vmem_shared>>
      %dma_wait3A_24 = arith.constant 0 : i32
      %dma_wait3A_25 = tpu.memref_slice %arg10[%add3A_6, %dma_wait3A_24] : memref<10240x128xf32, #tpu.memory_space<vmem_shared>> -> memref<128x128xf32, #tpu.memory_space<vmem_shared>>
      tpu.wait_dma2 semaphore(%run_scoped3A : memref<!tpu.dma_semaphore, #tpu.memory_space<semaphore_mem>>) src(%arg9 : memref<128x128xf32, #tpu.memory_space<vmem>>) dst(%dma_wait3A_25 : memref<128x128xf32, #tpu.memory_space<vmem_shared>>)
      tpu.yield
    }) : () -> ()
    %add3A_7 = arith.constant 256 : i32
    %add3A_8 = arith.addi %mul3A_2, %add3A_7 : i32
    "tpu.region"() ({
      %run_scoped3A = tpu.sem_alloc : memref<!tpu.dma_semaphore, #tpu.memory_space<semaphore_mem>>
      %dma_start3A = arith.constant 0 : i32
      %dma_start3A_20 = tpu.memref_slice %arg10[%add3A_8, %dma_start3A] : memref<10240x128xf32, #tpu.memory_space<vmem_shared>> -> memref<128x128xf32, #tpu.memory_space<vmem_shared>>
      %dma_start3A_21 = arith.constant 0 : i32
      %dma_start3A_22 = tpu.memref_slice %arg10[%add3A_8, %dma_start3A_21] : memref<10240x128xf32, #tpu.memory_space<vmem_shared>> -> memref<128x128xf32, #tpu.memory_space<vmem_shared>>
      tpu.enqueue_dma source(%arg9 : memref<128x128xf32, #tpu.memory_space<vmem>>) target(%dma_start3A_22 : memref<128x128xf32, #tpu.memory_space<vmem_shared>>) target_semaphore(%run_scoped3A : memref<!tpu.dma_semaphore, #tpu.memory_space<semaphore_mem>>)
      %dma_wait3A = arith.constant 0 : i32
      %dma_wait3A_23 = tpu.memref_slice %arg10[%add3A_8, %dma_wait3A] : memref<10240x128xf32, #tpu.memory_space<vmem_shared>> -> memref<128x128xf32, #tpu.memory_space<vmem_shared>>
      %dma_wait3A_24 = arith.constant 0 : i32
      %dma_wait3A_25 = tpu.memref_slice %arg10[%add3A_8, %dma_wait3A_24] : memref<10240x128xf32, #tpu.memory_space<vmem_shared>> -> memref<128x128xf32, #tpu.memory_space<vmem_shared>>
      tpu.wait_dma2 semaphore(%run_scoped3A : memref<!tpu.dma_semaphore, #tpu.memory_space<semaphore_mem>>) src(%arg9 : memref<128x128xf32, #tpu.memory_space<vmem>>) dst(%dma_wait3A_25 : memref<128x128xf32, #tpu.memory_space<vmem_shared>>)
      tpu.yield
    }) : () -> ()
    %add3A_9 = arith.constant 384 : i32
    %add3A_10 = arith.addi %mul3A_2, %add3A_9 : i32
    "tpu.region"() ({
      %run_scoped3A = tpu.sem_alloc : memref<!tpu.dma_semaphore, #tpu.memory_space<semaphore_mem>>
      %dma_start3A = arith.constant 0 : i32
      %dma_start3A_20 = tpu.memref_slice %arg10[%add3A_10, %dma_start3A] : memref<10240x128xf32, #tpu.memory_space<vmem_shared>> -> memref<128x128xf32, #tpu.memory_space<vmem_shared>>
      %dma_start3A_21 = arith.constant 0 : i32
      %dma_start3A_22 = tpu.memref_slice %arg10[%add3A_10, %dma_start3A_21] : memref<10240x128xf32, #tpu.memory_space<vmem_shared>> -> memref<128x128xf32, #tpu.memory_space<vmem_shared>>
      tpu.enqueue_dma source(%arg9 : memref<128x128xf32, #tpu.memory_space<vmem>>) target(%dma_start3A_22 : memref<128x128xf32, #tpu.memory_space<vmem_shared>>) target_semaphore(%run_scoped3A : memref<!tpu.dma_semaphore, #tpu.memory_space<semaphore_mem>>)
      %dma_wait3A = arith.constant 0 : i32
      %dma_wait3A_23 = tpu.memref_slice %arg10[%add3A_10, %dma_wait3A] : memref<10240x128xf32, #tpu.memory_space<vmem_shared>> -> memref<128x128xf32, #tpu.memory_space<vmem_shared>>
      %dma_wait3A_24 = arith.constant 0 : i32
      %dma_wait3A_25 = tpu.memref_slice %arg10[%add3A_10, %dma_wait3A_24] : memref<10240x128xf32, #tpu.memory_space<vmem_shared>> -> memref<128x128xf32, #tpu.memory_space<vmem_shared>>
      tpu.wait_dma2 semaphore(%run_scoped3A : memref<!tpu.dma_semaphore, #tpu.memory_space<semaphore_mem>>) src(%arg9 : memref<128x128xf32, #tpu.memory_space<vmem>>) dst(%dma_wait3A_25 : memref<128x128xf32, #tpu.memory_space<vmem_shared>>)
      tpu.yield
    }) : () -> ()
    %add3A_11 = arith.constant 512 : i32
    %add3A_12 = arith.addi %mul3A_2, %add3A_11 : i32
    "tpu.region"() ({
      %run_scoped3A = tpu.sem_alloc : memref<!tpu.dma_semaphore, #tpu.memory_space<semaphore_mem>>
      %dma_start3A = arith.constant 0 : i32
      %dma_start3A_20 = tpu.memref_slice %arg10[%add3A_12, %dma_start3A] : memref<10240x128xf32, #tpu.memory_space<vmem_shared>> -> memref<128x128xf32, #tpu.memory_space<vmem_shared>>
      %dma_start3A_21 = arith.constant 0 : i32
      %dma_start3A_22 = tpu.memref_slice %arg10[%add3A_12, %dma_start3A_21] : memref<10240x128xf32, #tpu.memory_space<vmem_shared>> -> memref<128x128xf32, #tpu.memory_space<vmem_shared>>
      tpu.enqueue_dma source(%arg9 : memref<128x128xf32, #tpu.memory_space<vmem>>) target(%dma_start3A_22 : memref<128x128xf32, #tpu.memory_space<vmem_shared>>) target_semaphore(%run_scoped3A : memref<!tpu.dma_semaphore, #tpu.memory_space<semaphore_mem>>)
      %dma_wait3A = arith.constant 0 : i32
      %dma_wait3A_23 = tpu.memref_slice %arg10[%add3A_12, %dma_wait3A] : memref<10240x128xf32, #tpu.memory_space<vmem_shared>> -> memref<128x128xf32, #tpu.memory_space<vmem_shared>>
      %dma_wait3A_24 = arith.constant 0 : i32
      %dma_wait3A_25 = tpu.memref_slice %arg10[%add3A_12, %dma_wait3A_24] : memref<10240x128xf32, #tpu.memory_space<vmem_shared>> -> memref<128x128xf32, #tpu.memory_space<vmem_shared>>
      tpu.wait_dma2 semaphore(%run_scoped3A : memref<!tpu.dma_semaphore, #tpu.memory_space<semaphore_mem>>) src(%arg9 : memref<128x128xf32, #tpu.memory_space<vmem>>) dst(%dma_wait3A_25 : memref<128x128xf32, #tpu.memory_space<vmem_shared>>)
      tpu.yield
    }) : () -> ()
    %barrier3A = arith.constant 0 : index
    tpu.barrier barrier_id(%barrier3A)
    %scan3A = arith.constant 0 : i32
    %scan3A_13 = arith.constant 0 : i32
    %scan3A_14 = arith.constant 79 : i32
    %scan3A_15 = arith.addi %scan3A_13, %scan3A_14 : i32
    %scan3A_16 = arith.constant 1 : i32
    %scan3A_17 = scf.for %scan3A_20 = %scan3A_13 to %scan3A_15 step %scan3A_16 iter_args(%scan3A_21 = %scan3A) -> (i32)  : i32 {
      "tpu.region"() ({
        %run_scoped3A = tpu.sem_alloc : memref<!tpu.dma_semaphore, #tpu.memory_space<semaphore_mem>>
        %dma_start3A_27 = arith.constant 0 : i32
        %dma_start3A_28 = tpu.memref_slice %arg3[%add3A, %scan3A_20, %dma_start3A_27] : memref<32x79x128xi32, #tpu.memory_space<hbm>> -> memref<1x1x128xi32, #tpu.memory_space<hbm>>
        %dma_start3A_29 = tpu.memref_squeeze %dma_start3A_28 : memref<1x1x128xi32, #tpu.memory_space<hbm>> -> memref<128xi32, #tpu.memory_space<hbm>>
        %dma_start3A_30 = arith.constant 0 : i32
        %dma_start3A_31 = tpu.memref_slice %arg3[%add3A, %scan3A_20, %dma_start3A_30] : memref<32x79x128xi32, #tpu.memory_space<hbm>> -> memref<1x1x128xi32, #tpu.memory_space<hbm>>
        %dma_start3A_32 = tpu.memref_squeeze %dma_start3A_31 : memref<1x1x128xi32, #tpu.memory_space<hbm>> -> memref<128xi32, #tpu.memory_space<hbm>>
        tpu.enqueue_dma source(%dma_start3A_32 : memref<128xi32, #tpu.memory_space<hbm>>) target(%arg7 : memref<128xi32, #tpu.memory_space<vmem>>) target_semaphore(%run_scoped3A : memref<!tpu.dma_semaphore, #tpu.memory_space<semaphore_mem>>)
        %dma_wait3A_33 = arith.constant 0 : i32
        %dma_wait3A_34 = tpu.memref_slice %arg3[%add3A, %scan3A_20, %dma_wait3A_33] : memref<32x79x128xi32, #tpu.memory_space<hbm>> -> memref<1x1x128xi32, #tpu.memory_space<hbm>>
        %dma_wait3A_35 = tpu.memref_squeeze %dma_wait3A_34 : memref<1x1x128xi32, #tpu.memory_space<hbm>> -> memref<128xi32, #tpu.memory_space<hbm>>
        %dma_wait3A_36 = arith.constant 0 : i32
        %dma_wait3A_37 = tpu.memref_slice %arg3[%add3A, %scan3A_20, %dma_wait3A_36] : memref<32x79x128xi32, #tpu.memory_space<hbm>> -> memref<1x1x128xi32, #tpu.memory_space<hbm>>
        %dma_wait3A_38 = tpu.memref_squeeze %dma_wait3A_37 : memref<1x1x128xi32, #tpu.memory_space<hbm>> -> memref<128xi32, #tpu.memory_space<hbm>>
        tpu.wait_dma2 semaphore(%run_scoped3A : memref<!tpu.dma_semaphore, #tpu.memory_space<semaphore_mem>>) src(%dma_wait3A_38 : memref<128xi32, #tpu.memory_space<hbm>>) dst(%arg7 : memref<128xi32, #tpu.memory_space<vmem>>)
        tpu.yield
      }) : () -> ()
      "tpu.region"() ({
        %run_scoped3A = tpu.sem_alloc : memref<!tpu.dma_semaphore, #tpu.memory_space<semaphore_mem>>
        %dma_start3A_27 = arith.constant 0 : i32
        %dma_start3A_28 = tpu.memref_slice %arg4[%add3A, %scan3A_20, %dma_start3A_27] : memref<32x79x128xi32, #tpu.memory_space<hbm>> -> memref<1x1x128xi32, #tpu.memory_space<hbm>>
        %dma_start3A_29 = tpu.memref_squeeze %dma_start3A_28 : memref<1x1x128xi32, #tpu.memory_space<hbm>> -> memref<128xi32, #tpu.memory_space<hbm>>
        %dma_start3A_30 = arith.constant 0 : i32
        %dma_start3A_31 = tpu.memref_slice %arg4[%add3A, %scan3A_20, %dma_start3A_30] : memref<32x79x128xi32, #tpu.memory_space<hbm>> -> memref<1x1x128xi32, #tpu.memory_space<hbm>>
        %dma_start3A_32 = tpu.memref_squeeze %dma_start3A_31 : memref<1x1x128xi32, #tpu.memory_space<hbm>> -> memref<128xi32, #tpu.memory_space<hbm>>
        tpu.enqueue_dma source(%dma_start3A_32 : memref<128xi32, #tpu.memory_space<hbm>>) target(%arg8 : memref<128xi32, #tpu.memory_space<vmem>>) target_semaphore(%run_scoped3A : memref<!tpu.dma_semaphore, #tpu.memory_space<semaphore_mem>>)
        %dma_wait3A_33 = arith.constant 0 : i32
        %dma_wait3A_34 = tpu.memref_slice %arg4[%add3A, %scan3A_20, %dma_wait3A_33] : memref<32x79x128xi32, #tpu.memory_space<hbm>> -> memref<1x1x128xi32, #tpu.memory_space<hbm>>
        %dma_wait3A_35 = tpu.memref_squeeze %dma_wait3A_34 : memref<1x1x128xi32, #tpu.memory_space<hbm>> -> memref<128xi32, #tpu.memory_space<hbm>>
        %dma_wait3A_36 = arith.constant 0 : i32
        %dma_wait3A_37 = tpu.memref_slice %arg4[%add3A, %scan3A_20, %dma_wait3A_36] : memref<32x79x128xi32, #tpu.memory_space<hbm>> -> memref<1x1x128xi32, #tpu.memory_space<hbm>>
        %dma_wait3A_38 = tpu.memref_squeeze %dma_wait3A_37 : memref<1x1x128xi32, #tpu.memory_space<hbm>> -> memref<128xi32, #tpu.memory_space<hbm>>
        tpu.wait_dma2 semaphore(%run_scoped3A : memref<!tpu.dma_semaphore, #tpu.memory_space<semaphore_mem>>) src(%dma_wait3A_38 : memref<128xi32, #tpu.memory_space<hbm>>) dst(%arg8 : memref<128xi32, #tpu.memory_space<vmem>>)
        tpu.yield
      }) : () -> ()
      %dma_start3A = arith.constant 0 : i32
      %dma_start3A_22 = arith.constant 0 : i32
      %dma_start3A_23 = tpu.memref_slice %arg2[%dma_start3A, %dma_start3A_22] : memref<10240x128xf32, #tpu.memory_space<hbm>> -> memref<10240x128xf32, #tpu.memory_space<hbm>>
      tpu.enqueue_indirect_dma source(%dma_start3A_23 : memref<10240x128xf32, #tpu.memory_space<hbm>>) target(%arg9 : memref<128x128xf32, #tpu.memory_space<vmem>>) offsets(%arg7 : memref<128xi32, #tpu.memory_space<vmem>>) semaphore(%arg11 : memref<!tpu.dma_semaphore, #tpu.memory_space<semaphore_mem>>)
      %dma_wait3A = arith.constant 0 : i32
      %dma_wait3A_24 = arith.constant 0 : i32
      %dma_wait3A_25 = tpu.memref_slice %arg2[%dma_wait3A, %dma_wait3A_24] : memref<10240x128xf32, #tpu.memory_space<hbm>> -> memref<10240x128xf32, #tpu.memory_space<hbm>>
      tpu.wait_indirect_dma semaphore(%arg11 : memref<!tpu.dma_semaphore, #tpu.memory_space<semaphore_mem>>) src(%dma_wait3A_25 : memref<10240x128xf32, #tpu.memory_space<hbm>>) dst(%arg9 : memref<128x128xf32, #tpu.memory_space<vmem>>)
      "tpu.region"() ({
        %run_scoped3A = tpu.sem_alloc : memref<!tpu.dma_semaphore, #tpu.memory_space<semaphore_mem>>
        %dma_start3A_27 = arith.constant 0 : i32
        %dma_start3A_28 = arith.constant 0 : i32
        %dma_start3A_29 = tpu.memref_slice %arg10[%dma_start3A_27, %dma_start3A_28] : memref<10240x128xf32, #tpu.memory_space<vmem_shared>> -> memref<10240x128xf32, #tpu.memory_space<vmem_shared>>
        tpu.enqueue_indirect_dma source(%arg9 : memref<128x128xf32, #tpu.memory_space<vmem>>) target(%dma_start3A_29 : memref<10240x128xf32, #tpu.memory_space<vmem_shared>>) offsets(%arg8 : memref<128xi32, #tpu.memory_space<vmem>>) semaphore(%run_scoped3A : memref<!tpu.dma_semaphore, #tpu.memory_space<semaphore_mem>>) {add = true}
        %dma_wait3A_30 = arith.constant 0 : i32
        %dma_wait3A_31 = arith.constant 0 : i32
        %dma_wait3A_32 = tpu.memref_slice %arg10[%dma_wait3A_30, %dma_wait3A_31] : memref<10240x128xf32, #tpu.memory_space<vmem_shared>> -> memref<10240x128xf32, #tpu.memory_space<vmem_shared>>
        tpu.wait_indirect_dma semaphore(%run_scoped3A : memref<!tpu.dma_semaphore, #tpu.memory_space<semaphore_mem>>) src(%arg9 : memref<128x128xf32, #tpu.memory_space<vmem>>) dst(%dma_wait3A_32 : memref<10240x128xf32, #tpu.memory_space<vmem_shared>>)
        tpu.yield
      }) : () -> ()
      %scan3A_26 = arith.constant 0 : i32
      scf.yield %scan3A_26 : i32
    }
    %scan3A_18 = arith.constant 79 : i32
    %barrier3A_19 = arith.constant 0 : index
    tpu.barrier barrier_id(%barrier3A_19)
    "tpu.region"() ({
      %run_scoped3A = tpu.sem_alloc : memref<!tpu.dma_semaphore, #tpu.memory_space<semaphore_mem>>
      %dma_start3A = arith.constant 0 : i32
      %dma_start3A_20 = tpu.memref_slice %arg6[%arg0, %mul3A_2, %dma_start3A] : memref<2x10240x128xf32, #tpu.memory_space<hbm>> -> memref<1x640x128xf32, #tpu.memory_space<hbm>>
      %dma_start3A_21 = tpu.memref_squeeze %dma_start3A_20 : memref<1x640x128xf32, #tpu.memory_space<hbm>> -> memref<640x128xf32, #tpu.memory_space<hbm>>
      %dma_start3A_22 = arith.constant 0 : i32
      %dma_start3A_23 = tpu.memref_slice %arg10[%mul3A_2, %dma_start3A_22] : memref<10240x128xf32, #tpu.memory_space<vmem_shared>> -> memref<640x128xf32, #tpu.memory_space<vmem_shared>>
      tpu.enqueue_dma source(%dma_start3A_23 : memref<640x128xf32, #tpu.memory_space<vmem_shared>>) target(%dma_start3A_21 : memref<640x128xf32, #tpu.memory_space<hbm>>) target_semaphore(%run_scoped3A : memref<!tpu.dma_semaphore, #tpu.memory_space<semaphore_mem>>)
      %dma_wait3A = arith.constant 0 : i32
      %dma_wait3A_24 = tpu.memref_slice %arg6[%arg0, %mul3A_2, %dma_wait3A] : memref<2x10240x128xf32, #tpu.memory_space<hbm>> -> memref<1x640x128xf32, #tpu.memory_space<hbm>>
      %dma_wait3A_25 = tpu.memref_squeeze %dma_wait3A_24 : memref<1x640x128xf32, #tpu.memory_space<hbm>> -> memref<640x128xf32, #tpu.memory_space<hbm>>
      %dma_wait3A_26 = arith.constant 0 : i32
      %dma_wait3A_27 = tpu.memref_slice %arg10[%mul3A_2, %dma_wait3A_26] : memref<10240x128xf32, #tpu.memory_space<vmem_shared>> -> memref<640x128xf32, #tpu.memory_space<vmem_shared>>
      tpu.wait_dma2 semaphore(%run_scoped3A : memref<!tpu.dma_semaphore, #tpu.memory_space<semaphore_mem>>) src(%dma_wait3A_27 : memref<640x128xf32, #tpu.memory_space<vmem_shared>>) dst(%dma_wait3A_25 : memref<640x128xf32, #tpu.memory_space<hbm>>)
      tpu.yield
    }) : () -> ()
    return
  }
}

module attributes {stable_mosaic.version = 14 : i64} {
  func.func @_tc_body(%arg0: i32, %arg1: memref<1024x128xf32, #tpu.memory_space<vmem>>, %arg2: memref<1024x128xf32, #tpu.memory_space<vmem>>, %arg3: memref<1024x128xf32, #tpu.memory_space<vmem>>, %arg4: memref<1024x128xf32, #tpu.memory_space<vmem>>, %arg5: memref<1024x128xf32, #tpu.memory_space<vmem>>, %arg6: memref<128x128xf32, #tpu.memory_space<vmem>>, %arg7: memref<128x128xf32, #tpu.memory_space<vmem>>, %arg8: memref<1x128xf32, #tpu.memory_space<vmem>>, %arg9: memref<1024x128xf32, #tpu.memory_space<vmem>>) attributes {dimension_semantics = [#tpu.dimension_semantics<arbitrary>], iteration_bounds = array<i64: 10>, scalar_prefetch = 0 : i64, scratch_operands = 0 : i64, tpu.core_type = #tpu.core_type<tc>, window_params = [{transform_indices = @transform_0, window_bounds = array<i64: 1024, 128>}, {transform_indices = @transform_1, window_bounds = array<i64: 1024, 128>}, {transform_indices = @transform_2, window_bounds = array<i64: 1024, 128>}, {transform_indices = @transform_3, window_bounds = array<i64: 1024, 128>}, {transform_indices = @transform_4, window_bounds = array<i64: 1024, 128>}, {pipeline_mode = #tpu.pipeline_mode<synchronous>, transform_indices = @transform_5, window_bounds = array<i64: 128, 128>}, {pipeline_mode = #tpu.pipeline_mode<synchronous>, transform_indices = @transform_6, window_bounds = array<i64: 128, 128>}, {pipeline_mode = #tpu.pipeline_mode<synchronous>, transform_indices = @transform_7, window_bounds = array<i64: 1, 128>}, {transform_indices = @transform_8, window_bounds = array<i64: 1024, 128>}]} {
    %get3A = arith.constant 0 : index
    %get3A_0 = arith.constant 0 : index
    %get3A_1 = vector.load %arg3[%get3A, %get3A_0] : memref<1024x128xf32, #tpu.memory_space<vmem>>, vector<1024x1xf32>
    %get3A_2 = arith.constant 0 : index
    %get3A_3 = arith.constant 0 : index
    %get3A_4 = vector.load %arg4[%get3A_2, %get3A_3] : memref<1024x128xf32, #tpu.memory_space<vmem>>, vector<1024x1xf32>
    %add3A = arith.addf %get3A_1, %get3A_4 : vector<1024x1xf32>
    %max3A = arith.constant 1.000000e+00 : f32
    %max3A_5 = vector.broadcast %max3A : f32 to vector<1024x1xf32>
    %max3A_6 = arith.maximumf %add3A, %max3A_5 : vector<1024x1xf32>
    %div3A = arith.constant 1.000000e+00 : f32
    %div3A_7 = vector.broadcast %div3A : f32 to vector<1024x1xf32>
    %div3A_8 = arith.divf %div3A_7, %max3A_6 : vector<1024x1xf32>
    %get3A_9 = arith.constant 0 : index
    %get3A_10 = arith.constant 0 : index
    %get3A_11 = vector.load %arg1[%get3A_9, %get3A_10] : memref<1024x128xf32, #tpu.memory_space<vmem>>, vector<1024x128xf32>
    %get3A_12 = arith.constant 0 : index
    %get3A_13 = arith.constant 0 : index
    %get3A_14 = vector.load %arg2[%get3A_12, %get3A_13] : memref<1024x128xf32, #tpu.memory_space<vmem>>, vector<1024x128xf32>
    %add3A_15 = arith.addf %get3A_11, %get3A_14 : vector<1024x128xf32>
    %mul3A = vector.broadcast %div3A_8 : vector<1024x1xf32> to vector<1024x128xf32>
    %mul3A_16 = arith.mulf %add3A_15, %mul3A : vector<1024x128xf32>
    %get3A_17 = arith.constant 0 : index
    %get3A_18 = arith.constant 0 : index
    %get3A_19 = vector.load %arg6[%get3A_17, %get3A_18] : memref<128x128xf32, #tpu.memory_space<vmem>>, vector<128x128xf32>
    %dot_general3A = arith.constant dense<0.000000e+00> : vector<1024x128xf32>
    %dot_general3A_20 = tpu.matmul %mul3A_16, %get3A_19, %dot_general3A {dimension_numbers = #tpu.dot_dimension_numbers<[1], [1], [0], [0], [0, 0, 1, 0], [], []>, transpose_lhs_hint = false} : vector<1024x128xf32>, vector<128x128xf32>, vector<1024x128xf32> -> vector<1024x128xf32>
    %get3A_21 = arith.constant 0 : index
    %get3A_22 = arith.constant 0 : index
    %get3A_23 = vector.load %arg8[%get3A_21, %get3A_22] : memref<1x128xf32, #tpu.memory_space<vmem>>, vector<1x128xf32>
    %add3A_24 = vector.broadcast %get3A_23 : vector<1x128xf32> to vector<1024x128xf32>
    %add3A_25 = arith.addf %dot_general3A_20, %add3A_24 : vector<1024x128xf32>
    %get3A_26 = arith.constant 0 : index
    %get3A_27 = arith.constant 0 : index
    %get3A_28 = vector.load %arg5[%get3A_26, %get3A_27] : memref<1024x128xf32, #tpu.memory_space<vmem>>, vector<1024x128xf32>
    %get3A_29 = arith.constant 0 : index
    %get3A_30 = arith.constant 0 : index
    %get3A_31 = vector.load %arg7[%get3A_29, %get3A_30] : memref<128x128xf32, #tpu.memory_space<vmem>>, vector<128x128xf32>
    %dot_general3A_32 = arith.constant dense<0.000000e+00> : vector<1024x128xf32>
    %dot_general3A_33 = tpu.matmul %get3A_28, %get3A_31, %dot_general3A_32 {dimension_numbers = #tpu.dot_dimension_numbers<[1], [1], [0], [0], [0, 0, 1, 0], [], []>, transpose_lhs_hint = false} : vector<1024x128xf32>, vector<128x128xf32>, vector<1024x128xf32> -> vector<1024x128xf32>
    %add3A_34 = arith.addf %add3A_25, %dot_general3A_33 : vector<1024x128xf32>
    %mul3A_35 = arith.mulf %add3A_34, %add3A_34 : vector<1024x128xf32>
    %reduce_sum3A = arith.constant dense<0.000000e+00> : vector<1024xf32>
    %reduce_sum3A_36 = vector.multi_reduction <add>, %mul3A_35, %reduce_sum3A [1] : vector<1024x128xf32> to vector<1024xf32>
    %broadcast_in_dim3A = vector.shape_cast %reduce_sum3A_36 : vector<1024xf32> to vector<1024x1xf32>
    %sqrt3A = math.sqrt %broadcast_in_dim3A : vector<1024x1xf32>
    %max3A_37 = arith.constant 9.99999996E-13 : f32
    %max3A_38 = vector.broadcast %max3A_37 : f32 to vector<1024x1xf32>
    %max3A_39 = arith.maximumf %sqrt3A, %max3A_38 : vector<1024x1xf32>
    %div3A_40 = vector.broadcast %max3A_39 : vector<1024x1xf32> to vector<1024x128xf32>
    %div3A_41 = arith.divf %add3A_34, %div3A_40 : vector<1024x128xf32>
    %swap3A = arith.constant 0 : index
    %swap3A_42 = arith.constant 0 : index
    %swap3A_43 = vector.load %arg9[%swap3A, %swap3A_42] : memref<1024x128xf32, #tpu.memory_space<vmem>>, vector<1024x128xf32>
    tpu.vector_store %arg9[%swap3A, %swap3A_42], %div3A_41 {strides = array<i32>} : memref<1024x128xf32, #tpu.memory_space<vmem>>, vector<1024x128xf32>,
    return
  }
  func.func @transform_0(%arg0: i32) -> (i32, i32) {
    %c0_i32 = arith.constant 0 : i32
    %c0_i32_0 = arith.constant 0 : i32
    return %arg0, %c0_i32 : i32, i32
  }
  func.func @transform_1(%arg0: i32) -> (i32, i32) {
    %c0_i32 = arith.constant 0 : i32
    %c0_i32_0 = arith.constant 0 : i32
    return %arg0, %c0_i32 : i32, i32
  }
  func.func @transform_2(%arg0: i32) -> (i32, i32) {
    %c0_i32 = arith.constant 0 : i32
    %c0_i32_0 = arith.constant 0 : i32
    return %arg0, %c0_i32 : i32, i32
  }
  func.func @transform_3(%arg0: i32) -> (i32, i32) {
    %c0_i32 = arith.constant 0 : i32
    %c0_i32_0 = arith.constant 0 : i32
    return %arg0, %c0_i32 : i32, i32
  }
  func.func @transform_4(%arg0: i32) -> (i32, i32) {
    %c0_i32 = arith.constant 0 : i32
    %c0_i32_0 = arith.constant 0 : i32
    return %arg0, %c0_i32 : i32, i32
  }
  func.func @transform_5(%arg0: i32) -> (i32, i32) {
    %c0_i32 = arith.constant 0 : i32
    %c0_i32_0 = arith.constant 0 : i32
    %c0_i32_1 = arith.constant 0 : i32
    return %c0_i32, %c0_i32_0 : i32, i32
  }
  func.func @transform_6(%arg0: i32) -> (i32, i32) {
    %c0_i32 = arith.constant 0 : i32
    %c0_i32_0 = arith.constant 0 : i32
    %c0_i32_1 = arith.constant 0 : i32
    return %c0_i32, %c0_i32_0 : i32, i32
  }
  func.func @transform_7(%arg0: i32) -> (i32, i32) {
    %c0_i32 = arith.constant 0 : i32
    %c0_i32_0 = arith.constant 0 : i32
    %c0_i32_1 = arith.constant 0 : i32
    return %c0_i32, %c0_i32_0 : i32, i32
  }
  func.func @transform_8(%arg0: i32) -> (i32, i32) {
    %c0_i32 = arith.constant 0 : i32
    %c0_i32_0 = arith.constant 0 : i32
    return %arg0, %c0_i32 : i32, i32
  }
}

</mosaic_0001>

<sc_bundles>
// kernel: kernel.5.cloned.1.call-start
scs
__scs_entry_jumppad:
0x0: {  	(pc) =	sbr.rel $0x88, $3  }
0x1: {  	(tag) =	ssettag $0x0;
	lr =	simm.s32 $0x1  }
0x2: {  	[smem:$0x3F9C] =	sst lr;
	_ =	strace $0xD0000000  }
0x3: {  	_ = 	snop  }
0x4: {  	_ = 	snop  }
0x5: {  	_ = 	snop  }
0x6: {  	_ = 	snop  }
0x7: {  	_ = 	snop  }
__scs_overlays_trampoline_lowered:
0x8: {  	[smem:$0x3FAB] =	sst s0  }
0x9: {  	[smem:$0x3FAC] =	sst s1  }
0xa: {  	[smem:$0x3FAD] =	sst s2  }
0xb: {  	[smem:$0x3FAE] =	sst s3  }
0xc: {  	[smem:$0x3FAF] =	sst s4  }
0xd: {  	[smem:$0x3FB0] =	sst s5  }
0xe: {  	[smem:$0x3FB1] =	sst s6  }
0xf: {  	[smem:$0x3FB2] =	sst s7  }
0x10: {  	[smem:$0x3FB3] =	sst s8  }
0x11: {  	[smem:$0x3FB4] =	sst s9;
	s0 =	simm.s32 @!p0 $0x0  }
0x12: {  	s1 =	sld [smem:$0x3F9A];
	s0 =	simm.s32 @p0 $0x1  }
0x13: {  	[smem:$0x3FB5] =	sst s0;
	s0 =	simm.s32 @!p1 $0x0  }
0x14: {  	s2 =	sld [smem:$0x3F99];
	s0 =	simm.s32 @p1 $0x1  }
0x15: {  	[smem:$0x3FB6] =	sst s0;
	s0 =	simm.s32 @!p2 $0x0  }
0x16: {  	s3 =	sld [smem:$0x3FDB];
	s0 =	simm.s32 @p2 $0x1  }
0x17: {  	s4 =	simm.s32 $0x1BF5;
	[smem:$0x3FB8] =	sst s0  }
0x18: {  	s0 =	sld [smem:$0x3F9B];
	_ =	swait.ge [sflag:s4], $0x0  }
0x19: {  	s7 =	sld [smem:$0x3F9C]  }
0x1a: {  	s8 =	sadd.s32 $0xFFFFE003, lr  }
0x1b: {  	s9 =	sadd.s32 $0xFFFFFEF7, lr;
	s5 =	simm.s32 $0xFFFFFFFF;
	p2 =	slt.u32 s8, $0xFFFFF086  }
0x1c: {  	p1 =	slt.u32 s9, $0xF7A;
	s5 =	simm.s32 @!p2 $0x0  }
0x1d: {  	s5 =	simm.s32 @p1 $0x1;
	p0 =	seq.s32 s7, s2  }
0x1e: {  	s7 =	smul.u32 @!p0 $0xF7A, s2;
	p2 =	seq.s32 @!p0 s5, $0x0  }
0x1f: {  	s9 =	smul.u32 $0xF7A, s1;
	s8 =	simm.s32 @!p0 $0x1BF5;
	p2 =	por !p2, p0  }
0x20: {  	[sflag:s8] =	ssyncset.s32 @!p0 $0xFFFFF086;
	s6 =	sadd.s32 @!p0 s3, s7;
	s7 =	simm.s32 @!p0 $0x108  }
0x21: {  	s3 =	sadd.s32 s3, s9;
	s6 =	sadd.s32 @!p0 $0x88, s6;
	s7 =	simm.s32 @p2 $0x1082  }
0x22: {  	[simem:s7], [sflag:s8] =	dma.local @!p0 [hbm:s6], $0xF7A  }
0x23: {  	s9 =	sor.u32 $0xD0000000, s2;
	s6 =	simm.s32 $0x108;
	_ =	swait.ge @!p0 [sflag:s8], $0x0  }
0x24: {  	s3 =	sadd.s32 $0x88, s3;
	s6 =	simm.s32 @!p1 $0x1082;
	[sflag:s4] =	ssyncset.s32 $0xFFFFF086  }
0x25: {  	[simem:s6], [sflag:s4] =	dma.local [hbm:s3], $0xF7A  }
0x26: {  	[smem:$0x3F9C] =	sst s1;
	(tag) =	ssettag s2;
	_ =	strace s9  }
0x27: {  	s1 =	sld [smem:$0x3FAC]  }
0x28: {  	s2 =	sld [smem:$0x3FAD]  }
0x29: {  	s4 =	sld [smem:$0x3FAF]  }
0x2a: {  	p0 =	seq.s32 s5, $0x0;
	s5 =	sld [smem:$0x3FB0]  }
0x2b: {  	s6 =	sld [smem:$0x3FB1]  }
0x2c: {  	s7 =	sld [smem:$0x3FB2]  }
0x2d: {  	s3 =	simm.s32 $0x108;
	s8 =	sld [smem:$0x3FB3]  }
0x2e: {  	s3 =	simm.s32 @!p0 $0x1082;
	s9 =	sld [smem:$0x3FB4]  }
0x2f: {  	lr =	sadd.s32 s0, s3;
	s0 =	sld [smem:$0x3FAB]  }
0x30: {  	s3 =	sld [smem:$0x3FAE]  }
0x31: {  	[smem:$0x3FB7] =	sst s10  }
0x32: {  	s10 =	sld [smem:$0x3FB5];
	_ =	sdelay $0x3  }
0x33: {  	p0 =	seq.s32 s10, $0x1;
	s10 =	sld [smem:$0x3FB7];
	_ =	sdelay $0x3  }
0x34: {  	[smem:$0x3FB7] =	sst s10  }
0x35: {  	s10 =	sld [smem:$0x3FB6];
	_ =	sdelay $0x3  }
0x36: {  	p1 =	seq.s32 s10, $0x1;
	s10 =	sld [smem:$0x3FB7];
	_ =	sdelay $0x3  }
0x37: {  	[smem:$0x3FB7] =	sst s10  }
0x38: {  	s10 =	sld [smem:$0x3FB8]  }
0x39: {  	_ = 	snop;
	(pc) =	sbr.ind lr, $3  }
0x3a: {  	_ = 	snop  }
0x3b: {  	_ = 	snop  }
0x3c: {  	p2 =	seq.s32 s10, $0x1;
	s10 =	sld [smem:$0x3FB7]  }
0x3d: {  	_ =	shalt  }
0x3e: {  	_ =	shalt  }
0x3f: {  	_ =	shalt  }
0x40: {  	_ =	shalt  }
0x41: {  	_ =	shalt  }
0x42: {  	_ =	shalt  }
0x43: {  	_ =	shalt  }
0x44: {  	_ =	shalt  }
0x45: {  	_ =	shalt  }
0x46: {  	_ =	shalt  }
0x47: {  	_ =	shalt  }
0x48: {  	_ =	shalt  }
0x49: {  	_ =	shalt  }
0x4a: {  	_ =	shalt  }
0x4b: {  	_ =	shalt  }
0x4c: {  	_ =	shalt  }
0x4d: {  	_ =	shalt  }
0x4e: {  	_ =	shalt  }
0x4f: {  	_ =	shalt  }
0x50: {  	_ =	shalt  }
0x51: {  	_ =	shalt  }
0x52: {  	_ =	shalt  }
0x53: {  	_ =	shalt  }
0x54: {  	_ =	shalt  }
0x55: {  	_ =	shalt  }
0x56: {  	_ =	shalt  }
0x57: {  	_ =	shalt  }
0x58: {  	_ =	shalt  }
0x59: {  	_ =	shalt  }
0x5a: {  	_ =	shalt  }
0x5b: {  	_ =	shalt  }
0x5c: {  	_ =	shalt  }
0x5d: {  	_ =	shalt  }
0x5e: {  	_ =	shalt  }
0x5f: {  	_ =	shalt  }
0x60: {  	_ =	shalt  }
0x61: {  	_ =	shalt  }
0x62: {  	_ =	shalt  }
0x63: {  	_ =	shalt  }
0x64: {  	_ =	shalt  }
0x65: {  	_ =	shalt  }
0x66: {  	_ =	shalt  }
0x67: {  	_ =	shalt  }
0x68: {  	_ =	shalt  }
0x69: {  	_ =	shalt  }
0x6a: {  	_ =	shalt  }
0x6b: {  	_ =	shalt  }
0x6c: {  	_ =	shalt  }
0x6d: {  	_ =	shalt  }
0x6e: {  	_ =	shalt  }
0x6f: {  	_ =	shalt  }
0x70: {  	_ =	shalt  }
0x71: {  	_ =	shalt  }
0x72: {  	_ =	shalt  }
0x73: {  	_ =	shalt  }
0x74: {  	_ =	shalt  }
0x75: {  	_ =	shalt  }
0x76: {  	_ =	shalt  }
0x77: {  	_ =	shalt  }
0x78: {  	_ =	shalt  }
0x79: {  	_ =	shalt  }
0x7a: {  	_ =	shalt  }
0x7b: {  	_ =	shalt  }
0x7c: {  	_ =	shalt  }
0x7d: {  	_ =	shalt  }
0x7e: {  	_ =	shalt  }
0x7f: {  	_ =	shalt  }
0x80: {  	_ =	shalt  }
0x81: {  	_ =	shalt  }
0x82: {  	_ =	shalt  }
0x83: {  	_ =	shalt  }
0x84: {  	_ =	shalt  }
0x85: {  	_ =	shalt  }
0x86: {  	_ =	shalt  }
0x87: {  	_ =	shalt  }
.Lfunc_end0:
.L_simem_size_0:
called_computation_lowered:
.L_overlay_start_0:
0x88: {  	s2 =	sld [smem:$0x3FD9]  }
0x89: {  	s3 =	sld [smem:$0x3FFE];
	_ =	sdelay $0x1  }
0x8a: {  	s1 =	srdreg.scid  }
0x8b: {  	s0 =	sand.u32 $0x1, s1  }
0x8c: {  	s17 =	sshll.u32 s0, $0xA;
	s2 =	sadd.s32 s3, s2  }
0x8d: {  	s2 =	sadd.s32 s2, s17  }
0x8e: {  	[smem:$0x3FC3] =	sst s2  }
0x8f: {  	_ = 	snop  }
0x90: {  	s18 =	sld [smem:$0x3FD0];
	(tm) =	ssettm $0x1  }
0x91: {  	s19 =	sld [smem:$0x3FFB];
	_ =	sdelay $0x3  }
0x92: {  	_ =	strace s19  }
0x93: {  	s2 =	sld [smem:$0x3FFC];
	_ =	sdelay $0x3  }
0x94: {  	_ =	strace s2  }
0x95: {  	s2 =	sld [smem:$0x3FFD];
	_ =	sdelay $0x3  }
0x96: {  	_ =	strace s2  }
0x97: {  	_ =	strace $0x8FFFFFFF  }
0x98: {  	s20 =	sld [smem:$0x3FDB];
	_ =	sdelay $0x1  }
0x99: {  	s4 =	simm.s32 $_scs_section_size  }
0x9a: {  	s5 =	simm.s32 $_size__tile_overlayer_lowered;
	s6 =	simm.s32 $_tile_overlayer_lowered  }
0x9b: {  	s7 =	simm.s32 $0x1BFF;
	s21 =	sshll.u32 s6, $0x1;
	s4 =	sadd.s32 s4, s20  }
0x9c: {  	s22 =	simm.s32 $0x0;
	s5 =	sshll.u32 s5, $0x1;
	s6 =	sadd.s32 s21, s4  }
0x9d: {  	[timem:s22], [sflag:s7] =	dma.local [hbm:s6], s5  }
0x9e: {  	_ =	swait.ge [sflag:s7], s5  }
0x9f: {  	s5 =	ssub.s32 $0x0, s5;
	[sflag:s7] =	ssyncset.done $0x0  }
0xa0: {  	[sflag:s7] =	ssyncadd.s32 s5;
	_ =	sdelay $0x1  }
0xa1: {  	s23 =	simm.s32 $0x1B8B  }
0xa2: {  	_ =	swait.ge [sflag:s23], $0x1  }
0xa3: {  	[sflag:s23] =	ssyncset.done $0x0  }
0xa4: {  	[sflag:s23] =	ssyncadd.s32 $0xFFFFFFFF  }
0xa5: {  	s5 =	sld [smem:$0x0]  }
0xa6: {  	s6 =	sand.u32 $0xFFFFFFFE, s1  }
0xa7: {  	p0 =	sne.s32 s1, s6  }
0xa8: {  	s6 =	sshll.u32 @p0 s6, $0xE  }
0xa9: {  	s6 =	sadd.s32 @p0 $0x11B8D, s6;
	s7 =	sshll.u32 @p0 s5, $0x11  }
0xaa: {  	s6 =	sor.u32 @p0 s7, s6  }
0xab: {  	[sflag:s6] =	ssyncadd.remote.s32 @p0 $0x1;
	_ =	sdelay $0x1  }
0xac: {  	s6 =	simm.s32 @p0 $0x1B8D  }
0xad: {  	_ =	swait.eq @p0 [sflag:s6], $0x1  }
0xae: {  	[sflag:s6] =	ssyncadd.s32 @p0 $0xFFFFFFFF  }
0xaf: {  	s7 =	sshll.u32 @!p0 s1, $0xE  }
0xb0: {  	s7 =	sor.u32 @!p0 $0x4000, s7;
	s6 =	simm.s32 @!p0 $0x1B8D  }
0xb1: {  	s5 =	sshll.u32 @!p0 s5, $0x11;
	s7 =	sadd.s32 @!p0 $0x11B8D, s7;
	_ =	swait.eq @!p0 [sflag:s6], $0x1  }
0xb2: {  	s5 =	sor.u32 @!p0 s5, s7;
	[sflag:s6] =	ssyncadd.s32 @!p0 $0xFFFFFFFF  }
0xb3: {  	s25 =	simm.s32 $0x1B8E;
	s24 =	sld [smem:$0x3FFE];
	[sflag:s5] =	ssyncadd.remote.s32 @!p0 $0x1  }
0xb4: {  	s26 =	simm.s32 $execute0_lowered;
	[smem:$0x3FD2] =	sst s25  }
0xb5: {  	s6 =	sshll.u32 s26, $0x1;
	_ =	strace $0x80000049;
	[dreg:$0x1] =	wrdreg $0xFFFFFFFF  }
0xb6: {  	s28 =	simm.s32 $_size_execute0_lowered;
	s4 =	sadd.s32 s4, s6;
	[dreg:$0x0] =	wrdreg $0x0  }
0xb7: {  	s6 =	sshll.u32 s28, $0x1;
	[dreg:$0x2] =	wrdreg s4  }
0xb8: {  	[dreg:$0x3] =	wrdreg s6  }
0xb9: {  	[dreg:$0x4] =	wrdreg $0xC0  }
0xba: {  	_ =	task [dreg:s22], $0x5FFFF  }
0xbb: {  	[dreg:$0x1] =	wrdreg $0xFFFFFFFF  }
0xbc: {  	[dreg:$0x0] =	wrdreg $0x60  }
0xbd: {  	[dreg:$0x2] =	wrdreg s24  }
0xbe: {  	[dreg:$0x3] =	wrdreg s18  }
0xbf: {  	[dreg:$0x4] =	wrdreg $0x41000  }
0xc0: {  	[dreg:$0x5] =	wrdreg $0x9  }
0xc1: {  	_ =	task.clear_ibuf [dreg:s22], $0x6FFFF;
	_ =	strace $0x90000049  }
0xc2: {  	s29 =	simm.s32 $0x9;
	_ =	strace $0x8000004B  }
0xc3: {  	_ =	swait.ge [sflag:s29], $0x1  }
0xc4: {  	[sflag:s29] =	ssyncadd.s32 $0xFFFFFFFF  }
0xc5: {  	_ =	strace $0x9000004B  }
0xc6: {  	_ =	sfence  }
0xc7: {  	s30 =	sld [smem:$0x0];
	_ =	sdelay $0x2  }
0xc8: {  	s31 =	sshll.u32 s1, $0xD;
	s1 =	sshrl.u32 s1, $0x2  }
0xc9: {  	s4 =	sand.u32 $0x4000, s31;
	s1 =	sadd.s32 s1, s30  }
0xca: {  	s0 =	sor.u32 s4, s0;
	s1 =	sshll.u32 s1, $0x11  }
0xcb: {  	s0 =	sor.u32 s1, s0  }
0xcc: {  	s0 =	sadd.s32 $0x8F2B, s0  }
0xcd: {  	[sflag:s0] =	ssyncadd.remote.s32 $0x1  }
0xce: {  	_ =	sfence.sel $0xFFFF  }
0xcf: {  	[dreg:$0x0] =	wrdreg $0xFFFFFFFF;
	(pc) =	sbr.abs _section_cstart, $3  }
0xd0: {  	[dreg:$0x1] =	wrdreg $0xFFFFFFFF  }
0xd1: {  	_ =	task.clear_ibuf [dreg:s22], $0x2FFFF;
	_ =	strace $0x9FFFFFFF  }
0xd2: {  	(tm) =	ssettm $0x7FFFFFFF  }
0xd3: {  	_ =	shalt  }
tec
execute0_lowered:
.L_overlay_start_1:
0x0: {  	(tag) =	ssettag $0x1  }
0x1: {  	s8 =	rddreg [dreg:$0x0]  }
0x2: {  	s2 =	rddreg [dreg:$0x1];
	s0 =	srdreg.scid  }
0x3: {  	s3 =	rddreg [dreg:$0x2];
	s1 =	stileid.u32  }
0x4: {  	s4 =	simm.s32 $0x0;
	s16 =	simm.s32 $0x100;
	s17 =	simm.s32 $0x2  }
0x5: {  	s18 =	simm.s32 $0x80;
	s19 =	simm.s32 $0x1;
	s22 =	simm.s32 $0x0  }
0x6: {  	s9 =	sand.u32 $0x1, s0;
	s0 =	rddreg [dreg:$0x3];
	s7 =	smul.u32 $0x14000, s1  }
0x7: {  	[smem:$0x7FF] =	sst s4;
	s5 =	sadd.s32 $0x83800, s8;
	s11 =	smul.u32 $0x50000, s1  }
0x8: {  	s12 =	sshll.u32 s1, $0x1;
	s20 =	sshll.u32 s1, $0x6;
	s6 =	smul.u32 $0x140000, s9  }
0x9: {  	_ =	strace $0x8000004A;
	s30 =	ssub.s32 $0x2, s9;
	s13 =	sor.u32 s9, s12  }
0xa: {  	s20 =	sor.u32 $0x1C02, s20;
	s31 =	sshrl.u32 s30, $0x1;
	s11 =	sshrl.u32 s11, $0x2  }
0xb: {  	s13 =	smul.u32 $0x2800, s13;
	s7 =	sadd.s32 s7, s6;
	s6 =	sadd.s32 $0x1000, s8  }
0xc: {  	s15 =	ssub.s32 s30, s31;
	s10 =	sshrl.u32 s7, $0x3;
	s7 =	sadd.s32 $0xB000, s8  }
0xd: {  	s15 =	smax.u32 s15, $0x1;
	s14 =	sadd.s32 s10, s8;
	s8 =	sadd.s32 s11, s3  }
0xe: {  	s9 =	sadd.s32 $0x4000, s8;
	s10 =	sadd.s32 $0x8000, s8;
	s11 =	sadd.s32 $0xC000, s8  }
0xf: {  	s12 =	sadd.s32 $0x10000, s8;
	s14 =	sadd.s32 $0xAB800, s14;
	s21 =	sshrl.u32 s8, $0x3  }
.LBB2_1:
0x10: {  	[tilespmem:s16], [sflag:$0x2] =	stream.linear.gather [hbm4b:s7+s4], $0x4000, $0x38;
	[tilespmem:$0x18100] =	vst v63  }
0x11: {  	_ =	swait.ge [sflag:s17], $0x4000  }
0x12: {  	[sflag:s17] =	ssyncset.done $0x0  }
0x13: {  	[sflag:s17] =	ssyncadd.s32 $0xFFFFC000  }
0x14: {  	[spmem:s8] =	stream.linear.scatter [tilespmem:s16], [sflag:$0x2], $0x4000, $0x38;
	[tilespmem:$0x18100] =	vst v63  }
0x15: {  	_ =	swait.ge [sflag:s17], $0x4000  }
0x16: {  	[sflag:s17] =	ssyncset.done $0x0  }
0x17: {  	[sflag:s17] =	ssyncadd.s32 $0xFFFFC000  }
0x18: {  	[spmem:s9] =	stream.linear.scatter [tilespmem:s16], [sflag:$0x2], $0x4000, $0x38;
	[tilespmem:$0x18100] =	vst v63  }
0x19: {  	_ =	swait.ge [sflag:s17], $0x4000  }
0x1a: {  	[sflag:s17] =	ssyncset.done $0x0  }
0x1b: {  	[sflag:s17] =	ssyncadd.s32 $0xFFFFC000  }
0x1c: {  	[spmem:s10] =	stream.linear.scatter [tilespmem:s16], [sflag:$0x2], $0x4000, $0x38;
	[tilespmem:$0x18100] =	vst v63  }
0x1d: {  	_ =	swait.ge [sflag:s17], $0x4000  }
0x1e: {  	[sflag:s17] =	ssyncset.done $0x0  }
0x1f: {  	[sflag:s17] =	ssyncadd.s32 $0xFFFFC000  }
0x20: {  	[spmem:s11] =	stream.linear.scatter [tilespmem:s16], [sflag:$0x2], $0x4000, $0x38;
	[tilespmem:$0x18100] =	vst v63  }
0x21: {  	_ =	swait.ge [sflag:s17], $0x4000  }
0x22: {  	[sflag:s17] =	ssyncset.done $0x0  }
0x23: {  	s23 =	sand.u32 $0x3C00, s4;
	[sflag:s17] =	ssyncadd.s32 $0xFFFFC000  }
0x24: {  	[spmem:s12] =	stream.linear.scatter [tilespmem:s16], [sflag:$0x2], $0x4000, $0x38;
	[tilespmem:$0x18100] =	vst v63  }
0x25: {  	s24 =	sand.u32 $0x380, s4;
	s23 =	sadd.s32 s13, s23;
	_ =	swait.ge [sflag:s17], $0x4000  }
0x26: {  	s23 =	sor.u32 s24, s23;
	[sflag:s17] =	ssyncset.done $0x0  }
0x27: {  	s23 =	sshrl.u32 s23, $0x3;
	[sflag:s17] =	ssyncadd.s32 $0xFFFFC000  }
0x28: {  	s29 =	sadd.s32 s2, s23;
	[bflag:$0x0] =	sbarrier.arrive $0xFFFF  }
0x29: {  	[tilespmem:s4], [sflag:$0x2] =	stream.linear.gather [hbm4b:s29+s4], $0x80, $0x38;
	[tilespmem:$0x18100] =	vst v63  }
0x2a: {  	_ =	swait.ge [sflag:s17], $0x80  }
0x2b: {  	[sflag:s17] =	ssyncset.done $0x0  }
0x2c: {  	s23 =	sadd.s32 s6, s23;
	[sflag:s17] =	ssyncadd.s32 $0xFFFFFF80  }
0x2d: {  	[tilespmem:s18], [sflag:$0x2] =	stream.linear.gather [hbm4b:s23+s4], $0x80, $0x38;
	[tilespmem:$0x18100] =	vst v63  }
0x2e: {  	_ =	swait.ge [sflag:s17], $0x80  }
0x2f: {  	[sflag:s17] =	ssyncset.done $0x0  }
0x30: {  	[sflag:s17] =	ssyncadd.s32 $0xFFFFFF80  }
0x31: {  	[tilespmem:s16], [sflag:$0x1] =	stream.indirect.gather [hbm4b:s5+s18], $0x80, s4, s18, $0xb8;
	[tilespmem:$0x18100] =	vst v63  }
0x32: {  	_ =	swait.ge [sflag:s19], $0x4000  }
0x33: {  	s30 =	simm.s32 $0x80;
	[sflag:s19] =	ssyncset.done $0x0  }
0x34: {  	s31 =	sand.u32 $0x3C00, s30;
	[sflag:s19] =	ssyncadd.s32 $0xFFFFC000  }
0x35: {  	[spmem:s3] =	stream.indirect.scatter.add.f32 [tilespmem:s16], [sflag:$0x2], $0x80, s18, s18, $0xb8;
	[tilespmem:$0x18100] =	vst v63  }
0x36: {  	s25 =	sand.u32 $0x380, s30;
	s24 =	sadd.s32 s13, s31;
	_ =	swait.ge [sflag:s17], $0x4000  }
0x37: {  	s24 =	sor.u32 s25, s24;
	s23 =	simm.s32 $0x100;
	[sflag:s17] =	ssyncset.done $0x0  }
.LBB2_2:
0x38: {  	s24 =	sshrl.u32 s24, $0x3  }
0x39: {  	[sflag:s17] =	ssyncadd.s32 $0xFFFFC000;
	s25 =	smov.u32 s23;
	s26 =	sadd.s32 $0x80, s23  }
0x3a: {  	p0 =	sne.s32 s23, $0x2700;
	s23 =	sadd.s32 s2, s24  }
0x3b: {  	[tilespmem:s4], [sflag:$0x2] =	stream.linear.gather [hbm4b:s23+s4], $0x80, $0x38;
	[tilespmem:$0x18100] =	vst v63  }
0x3c: {  	_ =	swait.ge [sflag:s17], $0x80  }
0x3d: {  	[sflag:s17] =	ssyncset.done $0x0  }
0x3e: {  	s23 =	sadd.s32 s6, s24;
	[sflag:s17] =	ssyncadd.s32 $0xFFFFFF80  }
0x3f: {  	[tilespmem:s18], [sflag:$0x2] =	stream.linear.gather [hbm4b:s23+s4], $0x80, $0x38;
	[tilespmem:$0x18100] =	vst v63  }
0x40: {  	_ =	swait.ge [sflag:s17], $0x80  }
0x41: {  	[sflag:s17] =	ssyncset.done $0x0  }
0x42: {  	[sflag:s17] =	ssyncadd.s32 $0xFFFFFF80  }
0x43: {  	[tilespmem:s16], [sflag:$0x1] =	stream.indirect.gather [hbm4b:s5+s18], $0x80, s4, s18, $0xb8;
	[tilespmem:$0x18100] =	vst v63  }
0x44: {  	_ =	swait.ge [sflag:s19], $0x4000  }
.Ltmp0:
0x45: {  	[sflag:s19] =	ssyncset.done $0x0;
	(pc) =	sbr.rel @p0 .LBB2_2-.Ltmp0, $4  }
0x46: {  	s23 =	sand.u32 $0x3C00, s25;
	[sflag:s19] =	ssyncadd.s32 $0xFFFFC000  }
0x47: {  	[spmem:s3] =	stream.indirect.scatter.add.f32 [tilespmem:s16], [sflag:$0x2], $0x80, s18, s18, $0xb8;
	[tilespmem:$0x18100] =	vst v63  }
0x48: {  	s24 =	sand.u32 $0x380, s25;
	s23 =	sadd.s32 s13, s23;
	_ =	swait.ge [sflag:s17], $0x4000  }
0x49: {  	s24 =	sor.u32 s24, s23;
	s23 =	smov.u32 s26;
	[sflag:s17] =	ssyncset.done $0x0  }
0x4a: {  	s23 =	sshrl.u32 s24, $0x3  }
0x4b: {  	[sflag:s17] =	ssyncadd.s32 $0xFFFFC000;
	s24 =	sadd.s32 s2, s23  }
0x4c: {  	[tilespmem:s4], [sflag:$0x2] =	stream.linear.gather [hbm4b:s24+s4], $0x80, $0x38;
	[tilespmem:$0x18100] =	vst v63  }
0x4d: {  	_ =	swait.ge [sflag:s17], $0x80  }
0x4e: {  	[sflag:s17] =	ssyncset.done $0x0  }
0x4f: {  	s23 =	sadd.s32 s6, s23;
	[sflag:s17] =	ssyncadd.s32 $0xFFFFFF80  }
0x50: {  	[tilespmem:s18], [sflag:$0x2] =	stream.linear.gather [hbm4b:s23+s4], $0x80, $0x38;
	[tilespmem:$0x18100] =	vst v63  }
0x51: {  	_ =	swait.ge [sflag:s17], $0x80  }
0x52: {  	[sflag:s17] =	ssyncset.done $0x0  }
0x53: {  	[sflag:s17] =	ssyncadd.s32 $0xFFFFFF80  }
0x54: {  	[tilespmem:s16], [sflag:$0x1] =	stream.indirect.gather [hbm4b:s5+s18], $0x80, s4, s18, $0xb8;
	[tilespmem:$0x18100] =	vst v63  }
0x55: {  	_ =	swait.ge [sflag:s19], $0x4000  }
0x56: {  	[sflag:s19] =	ssyncset.done $0x0  }
0x57: {  	[sflag:s19] =	ssyncadd.s32 $0xFFFFC000  }
0x58: {  	[spmem:s3] =	stream.indirect.scatter.add.f32 [tilespmem:s16], [sflag:$0x2], $0x80, s18, s18, $0xb8;
	[tilespmem:$0x18100] =	vst v63  }
0x59: {  	_ =	swait.ge [sflag:s17], $0x4000  }
0x5a: {  	s22 =	sadd.s32 $0x1, s22;
	[sflag:s17] =	ssyncset.done $0x0  }
0x5b: {  	p0 =	sne.s32 s22, s15;
	[sflag:s17] =	ssyncadd.s32 $0xFFFFC000  }
.Ltmp1:
0x5c: {  	[bflag:$0x0] =	sbarrier.arrive $0xFFFF;
	(pc) =	sbr.rel @p0 .LBB2_1-.Ltmp1, $4  }
0x5d: {  	[hbm:s14], [sflag:s20] =	dma.local [spmem:s21], $0x2800  }
0x5e: {  	_ =	swait.ge [sflag:s17], $0x2800  }
0x5f: {  	[sflag:s17] =	ssyncset.done $0x0  }
0x60: {  	[sflag:s17] =	ssyncadd.s32 $0xFFFFD800  }
0x61: {  	_ =	sfence.sel $0x180000  }
0x62: {  	[bflag:$0x0] =	sbarrier.arrive $0xFFFF  }
0x63: {  	p0 =	sne.s32 s1, $0x0;
	_ =	strace $0x9000004A  }
0x64: {  	s0 =	sadd.s32 @!p0 $0x100000, s0;
	[bflag:$0x2] =	sbarrier.arrive $0xFFFF  }
0x65: {  	[sflag:s0] =	ssyncadd.tile.s32 @!p0 $0x1;
	_ =	shalt  }
.Lfunc_end2:
_tile_overlayer_lowered:
.L_overlay_start_2:
0x66: {  	(tag) =	ssettag $0x2  }
0x67: {  	s0 =	rddreg [dreg:$0x0];
	s2 =	stileid.u32  }
0x68: {  	s1 =	rddreg [dreg:$0x1];
	p0 =	sne.s32 s2, $0x0  }
0x69: {  	s3 =	rddreg [dreg:$0x2];
	[bflag:$0x3] =	sbarrier.arrive $0xFFFF;
	s2 =	simm.s32 @!p0 $0x1C02  }
0x6a: {  	[timem:s3], [sflag:s2] =	dma.local @!p0 [hbm:s0], s1  }
0x6b: {  	s0 =	simm.s32 @!p0 $0x2  }
0x6c: {  	_ =	swait.ge @!p0 [sflag:s0], s1  }
0x6d: {  	s1 =	ssub.s32 @!p0 $0x0, s1;
	[sflag:s0] =	ssyncset.done @!p0 $0x0  }
0x6e: {  	[sflag:s0] =	ssyncadd.s32 @!p0 s1  }
0x6f: {  	[bflag:$0x3] =	sbarrier.arrive $0xFFFF  }
0x70: {  	_ =	shalt  }

// kernel: kernel.8.cloned.1.call-start
scs
__scs_entry_jumppad:
0x0: {  	(pc) =	sbr.rel $0x88, $3  }
0x1: {  	(tag) =	ssettag $0x0;
	lr =	simm.s32 $0x1  }
0x2: {  	[smem:$0x3F9C] =	sst lr;
	_ =	strace $0xD0000000  }
0x3: {  	_ = 	snop  }
0x4: {  	_ = 	snop  }
0x5: {  	_ = 	snop  }
0x6: {  	_ = 	snop  }
0x7: {  	_ = 	snop  }
__scs_overlays_trampoline_lowered:
0x8: {  	[smem:$0x3FAB] =	sst s0  }
0x9: {  	[smem:$0x3FAC] =	sst s1  }
0xa: {  	[smem:$0x3FAD] =	sst s2  }
0xb: {  	[smem:$0x3FAE] =	sst s3  }
0xc: {  	[smem:$0x3FAF] =	sst s4  }
0xd: {  	[smem:$0x3FB0] =	sst s5  }
0xe: {  	[smem:$0x3FB1] =	sst s6  }
0xf: {  	[smem:$0x3FB2] =	sst s7  }
0x10: {  	[smem:$0x3FB3] =	sst s8  }
0x11: {  	[smem:$0x3FB4] =	sst s9;
	s0 =	simm.s32 @!p0 $0x0  }
0x12: {  	s1 =	sld [smem:$0x3F9A];
	s0 =	simm.s32 @p0 $0x1  }
0x13: {  	[smem:$0x3FB5] =	sst s0;
	s0 =	simm.s32 @!p1 $0x0  }
0x14: {  	s2 =	sld [smem:$0x3F99];
	s0 =	simm.s32 @p1 $0x1  }
0x15: {  	[smem:$0x3FB6] =	sst s0;
	s0 =	simm.s32 @!p2 $0x0  }
0x16: {  	s3 =	sld [smem:$0x3FDB];
	s0 =	simm.s32 @p2 $0x1  }
0x17: {  	s4 =	simm.s32 $0x1BF5;
	[smem:$0x3FB8] =	sst s0  }
0x18: {  	s0 =	sld [smem:$0x3F9B];
	_ =	swait.ge [sflag:s4], $0x0  }
0x19: {  	s7 =	sld [smem:$0x3F9C]  }
0x1a: {  	s8 =	sadd.s32 $0xFFFFE003, lr  }
0x1b: {  	s9 =	sadd.s32 $0xFFFFFEF7, lr;
	s5 =	simm.s32 $0xFFFFFFFF;
	p2 =	slt.u32 s8, $0xFFFFF086  }
0x1c: {  	p1 =	slt.u32 s9, $0xF7A;
	s5 =	simm.s32 @!p2 $0x0  }
0x1d: {  	s5 =	simm.s32 @p1 $0x1;
	p0 =	seq.s32 s7, s2  }
0x1e: {  	s7 =	smul.u32 @!p0 $0xF7A, s2;
	p2 =	seq.s32 @!p0 s5, $0x0  }
0x1f: {  	s9 =	smul.u32 $0xF7A, s1;
	s8 =	simm.s32 @!p0 $0x1BF5;
	p2 =	por !p2, p0  }
0x20: {  	[sflag:s8] =	ssyncset.s32 @!p0 $0xFFFFF086;
	s6 =	sadd.s32 @!p0 s3, s7;
	s7 =	simm.s32 @!p0 $0x108  }
0x21: {  	s3 =	sadd.s32 s3, s9;
	s6 =	sadd.s32 @!p0 $0x88, s6;
	s7 =	simm.s32 @p2 $0x1082  }
0x22: {  	[simem:s7], [sflag:s8] =	dma.local @!p0 [hbm:s6], $0xF7A  }
0x23: {  	s9 =	sor.u32 $0xD0000000, s2;
	s6 =	simm.s32 $0x108;
	_ =	swait.ge @!p0 [sflag:s8], $0x0  }
0x24: {  	s3 =	sadd.s32 $0x88, s3;
	s6 =	simm.s32 @!p1 $0x1082;
	[sflag:s4] =	ssyncset.s32 $0xFFFFF086  }
0x25: {  	[simem:s6], [sflag:s4] =	dma.local [hbm:s3], $0xF7A  }
0x26: {  	[smem:$0x3F9C] =	sst s1;
	(tag) =	ssettag s2;
	_ =	strace s9  }
0x27: {  	s1 =	sld [smem:$0x3FAC]  }
0x28: {  	s2 =	sld [smem:$0x3FAD]  }
0x29: {  	s4 =	sld [smem:$0x3FAF]  }
0x2a: {  	p0 =	seq.s32 s5, $0x0;
	s5 =	sld [smem:$0x3FB0]  }
0x2b: {  	s6 =	sld [smem:$0x3FB1]  }
0x2c: {  	s7 =	sld [smem:$0x3FB2]  }
0x2d: {  	s3 =	simm.s32 $0x108;
	s8 =	sld [smem:$0x3FB3]  }
0x2e: {  	s3 =	simm.s32 @!p0 $0x1082;
	s9 =	sld [smem:$0x3FB4]  }
0x2f: {  	lr =	sadd.s32 s0, s3;
	s0 =	sld [smem:$0x3FAB]  }
0x30: {  	s3 =	sld [smem:$0x3FAE]  }
0x31: {  	[smem:$0x3FB7] =	sst s10  }
0x32: {  	s10 =	sld [smem:$0x3FB5];
	_ =	sdelay $0x3  }
0x33: {  	p0 =	seq.s32 s10, $0x1;
	s10 =	sld [smem:$0x3FB7];
	_ =	sdelay $0x3  }
0x34: {  	[smem:$0x3FB7] =	sst s10  }
0x35: {  	s10 =	sld [smem:$0x3FB6];
	_ =	sdelay $0x3  }
0x36: {  	p1 =	seq.s32 s10, $0x1;
	s10 =	sld [smem:$0x3FB7];
	_ =	sdelay $0x3  }
0x37: {  	[smem:$0x3FB7] =	sst s10  }
0x38: {  	s10 =	sld [smem:$0x3FB8]  }
0x39: {  	_ = 	snop;
	(pc) =	sbr.ind lr, $3  }
0x3a: {  	_ = 	snop  }
0x3b: {  	_ = 	snop  }
0x3c: {  	p2 =	seq.s32 s10, $0x1;
	s10 =	sld [smem:$0x3FB7]  }
0x3d: {  	_ =	shalt  }
0x3e: {  	_ =	shalt  }
0x3f: {  	_ =	shalt  }
0x40: {  	_ =	shalt  }
0x41: {  	_ =	shalt  }
0x42: {  	_ =	shalt  }
0x43: {  	_ =	shalt  }
0x44: {  	_ =	shalt  }
0x45: {  	_ =	shalt  }
0x46: {  	_ =	shalt  }
0x47: {  	_ =	shalt  }
0x48: {  	_ =	shalt  }
0x49: {  	_ =	shalt  }
0x4a: {  	_ =	shalt  }
0x4b: {  	_ =	shalt  }
0x4c: {  	_ =	shalt  }
0x4d: {  	_ =	shalt  }
0x4e: {  	_ =	shalt  }
0x4f: {  	_ =	shalt  }
0x50: {  	_ =	shalt  }
0x51: {  	_ =	shalt  }
0x52: {  	_ =	shalt  }
0x53: {  	_ =	shalt  }
0x54: {  	_ =	shalt  }
0x55: {  	_ =	shalt  }
0x56: {  	_ =	shalt  }
0x57: {  	_ =	shalt  }
0x58: {  	_ =	shalt  }
0x59: {  	_ =	shalt  }
0x5a: {  	_ =	shalt  }
0x5b: {  	_ =	shalt  }
0x5c: {  	_ =	shalt  }
0x5d: {  	_ =	shalt  }
0x5e: {  	_ =	shalt  }
0x5f: {  	_ =	shalt  }
0x60: {  	_ =	shalt  }
0x61: {  	_ =	shalt  }
0x62: {  	_ =	shalt  }
0x63: {  	_ =	shalt  }
0x64: {  	_ =	shalt  }
0x65: {  	_ =	shalt  }
0x66: {  	_ =	shalt  }
0x67: {  	_ =	shalt  }
0x68: {  	_ =	shalt  }
0x69: {  	_ =	shalt  }
0x6a: {  	_ =	shalt  }
0x6b: {  	_ =	shalt  }
0x6c: {  	_ =	shalt  }
0x6d: {  	_ =	shalt  }
0x6e: {  	_ =	shalt  }
0x6f: {  	_ =	shalt  }
0x70: {  	_ =	shalt  }
0x71: {  	_ =	shalt  }
0x72: {  	_ =	shalt  }
0x73: {  	_ =	shalt  }
0x74: {  	_ =	shalt  }
0x75: {  	_ =	shalt  }
0x76: {  	_ =	shalt  }
0x77: {  	_ =	shalt  }
0x78: {  	_ =	shalt  }
0x79: {  	_ =	shalt  }
0x7a: {  	_ =	shalt  }
0x7b: {  	_ =	shalt  }
0x7c: {  	_ =	shalt  }
0x7d: {  	_ =	shalt  }
0x7e: {  	_ =	shalt  }
0x7f: {  	_ =	shalt  }
0x80: {  	_ =	shalt  }
0x81: {  	_ =	shalt  }
0x82: {  	_ =	shalt  }
0x83: {  	_ =	shalt  }
0x84: {  	_ =	shalt  }
0x85: {  	_ =	shalt  }
0x86: {  	_ =	shalt  }
0x87: {  	_ =	shalt  }
.Lfunc_end0:
.L_simem_size_0:
called_computation.1_lowered:
.L_overlay_start_0:
0x88: {  	s2 =	sld [smem:$0x3FD9]  }
0x89: {  	s3 =	sld [smem:$0x3FFE];
	_ =	sdelay $0x1  }
0x8a: {  	s1 =	srdreg.scid  }
0x8b: {  	s0 =	sand.u32 $0x1, s1  }
0x8c: {  	s17 =	sshll.u32 s0, $0xA;
	s2 =	sadd.s32 s3, s2  }
0x8d: {  	s2 =	sadd.s32 s2, s17  }
0x8e: {  	[smem:$0x3FC3] =	sst s2  }
0x8f: {  	_ = 	snop  }
0x90: {  	s2 =	sld [smem:$0x3FD0];
	(tm) =	ssettm $0x1  }
0x91: {  	s18 =	sld [smem:$0x3FFB];
	_ =	sdelay $0x3  }
0x92: {  	_ =	strace s18  }
0x93: {  	s3 =	sld [smem:$0x3FFC];
	_ =	sdelay $0x3  }
0x94: {  	_ =	strace s3  }
0x95: {  	s3 =	sld [smem:$0x3FFD];
	_ =	sdelay $0x3  }
0x96: {  	_ =	strace s3  }
0x97: {  	_ =	strace $0x8FFFFFFF  }
0x98: {  	s19 =	sld [smem:$0x3FDB];
	_ =	sdelay $0x1  }
0x99: {  	s4 =	simm.s32 $_scs_section_size  }
0x9a: {  	s5 =	simm.s32 $_size__tile_overlayer_lowered;
	s6 =	simm.s32 $_tile_overlayer_lowered  }
0x9b: {  	s22 =	simm.s32 $0x1BFF;
	s21 =	sshll.u32 s6, $0x1;
	s3 =	sadd.s32 s4, s19  }
0x9c: {  	s7 =	simm.s32 $0x0;
	s20 =	sshll.u32 s5, $0x1;
	s5 =	sadd.s32 s21, s3  }
0x9d: {  	[timem:s7], [sflag:s22] =	dma.local [hbm:s5], s20  }
0x9e: {  	_ =	swait.ge [sflag:s22], s20  }
0x9f: {  	s4 =	ssub.s32 $0x0, s20;
	[sflag:s22] =	ssyncset.done $0x0  }
0xa0: {  	[sflag:s22] =	ssyncadd.s32 s4;
	_ =	sdelay $0x1  }
0xa1: {  	s23 =	simm.s32 $0x1B8B  }
0xa2: {  	_ =	swait.ge [sflag:s23], $0x1  }
0xa3: {  	[sflag:s23] =	ssyncset.done $0x0  }
0xa4: {  	s25 =	simm.s32 $0x1B8E;
	s24 =	sld [smem:$0x3FFE];
	[sflag:s23] =	ssyncadd.s32 $0xFFFFFFFF  }
0xa5: {  	s26 =	simm.s32 $execute0_lowered;
	[smem:$0x3FD2] =	sst s25  }
0xa6: {  	s5 =	sshll.u32 s26, $0x1;
	_ =	strace $0x80000046;
	[dreg:$0x1] =	wrdreg $0xFFFFFFFF  }
0xa7: {  	s28 =	simm.s32 $_size_execute0_lowered;
	s3 =	sadd.s32 s3, s5;
	[dreg:$0x0] =	wrdreg $0x0  }
0xa8: {  	s5 =	sshll.u32 s28, $0x1;
	[dreg:$0x2] =	wrdreg s3  }
0xa9: {  	[dreg:$0x3] =	wrdreg s5  }
0xaa: {  	[dreg:$0x4] =	wrdreg $0xC0  }
0xab: {  	_ =	task [dreg:s7], $0x5FFFF  }
0xac: {  	[dreg:$0x1] =	wrdreg $0xFFFFFFFF  }
0xad: {  	[dreg:$0x0] =	wrdreg $0x60  }
0xae: {  	[dreg:$0x2] =	wrdreg s24  }
0xaf: {  	[dreg:$0x3] =	wrdreg s2  }
0xb0: {  	[dreg:$0x4] =	wrdreg $0x41000  }
0xb1: {  	[dreg:$0x5] =	wrdreg $0xA  }
0xb2: {  	_ =	task.clear_ibuf [dreg:s7], $0x6FFFF;
	_ =	strace $0x90000046  }
0xb3: {  	s29 =	simm.s32 $0xA;
	_ =	strace $0x80000048  }
0xb4: {  	_ =	swait.ge [sflag:s29], $0x1  }
0xb5: {  	[sflag:s29] =	ssyncadd.s32 $0xFFFFFFFF  }
0xb6: {  	_ =	strace $0x90000048  }
0xb7: {  	_ =	sfence  }
0xb8: {  	s30 =	sld [smem:$0x0];
	_ =	sdelay $0x2  }
0xb9: {  	s31 =	sshll.u32 s1, $0xD;
	s1 =	sshrl.u32 s1, $0x2  }
0xba: {  	s3 =	sand.u32 $0x4000, s31;
	s1 =	sadd.s32 s1, s30  }
0xbb: {  	s0 =	sor.u32 s3, s0;
	s1 =	sshll.u32 s1, $0x11  }
0xbc: {  	s0 =	sor.u32 s1, s0  }
0xbd: {  	s0 =	sadd.s32 $0x8F2B, s0  }
0xbe: {  	[sflag:s0] =	ssyncadd.remote.s32 $0x1  }
0xbf: {  	_ =	sfence.sel $0xFFFF  }
0xc0: {  	[dreg:$0x0] =	wrdreg $0xFFFFFFFF;
	(pc) =	sbr.abs _section_cstart, $3  }
0xc1: {  	[dreg:$0x1] =	wrdreg $0xFFFFFFFF  }
0xc2: {  	_ =	task.clear_ibuf [dreg:s7], $0x2FFFF;
	_ =	strace $0x9FFFFFFF  }
0xc3: {  	(tm) =	ssettm $0x7FFFFFFF  }
tec
execute0_lowered:
.L_overlay_start_1:
0x0: {  	(tag) =	ssettag $0x1  }
0x1: {  	s8 =	rddreg [dreg:$0x0]  }
0x2: {  	s2 =	rddreg [dreg:$0x1];
	s0 =	srdreg.scid  }
0x3: {  	s3 =	rddreg [dreg:$0x2];
	s1 =	stileid.u32  }
0x4: {  	s4 =	simm.s32 $0x0;
	s16 =	simm.s32 $0x100;
	s17 =	simm.s32 $0x2  }
0x5: {  	s18 =	simm.s32 $0x80;
	s19 =	simm.s32 $0x1;
	s22 =	simm.s32 $0x0  }
0x6: {  	s9 =	sand.u32 $0x1, s0;
	s0 =	rddreg [dreg:$0x3];
	s7 =	smul.u32 $0x14000, s1  }
0x7: {  	[smem:$0x7FF] =	sst s4;
	s5 =	sadd.s32 $0xB800, s8;
	s11 =	smul.u32 $0x50000, s1  }
0x8: {  	s12 =	sshll.u32 s1, $0x1;
	s20 =	sshll.u32 s1, $0x6;
	s6 =	smul.u32 $0x140000, s9  }
0x9: {  	_ =	strace $0x80000047;
	s30 =	ssub.s32 $0x2, s9;
	s13 =	sor.u32 s9, s12  }
0xa: {  	s20 =	sor.u32 $0x1C02, s20;
	s31 =	sshrl.u32 s30, $0x1;
	s11 =	sshrl.u32 s11, $0x2  }
0xb: {  	s13 =	smul.u32 $0x2800, s13;
	s7 =	sadd.s32 s7, s6;
	s6 =	sadd.s32 $0x1000, s8  }
0xc: {  	s15 =	ssub.s32 s30, s31;
	s10 =	sshrl.u32 s7, $0x3;
	s7 =	sadd.s32 $0xB000, s8  }
0xd: {  	s15 =	smax.u32 s15, $0x1;
	s14 =	sadd.s32 s10, s8;
	s8 =	sadd.s32 s11, s3  }
0xe: {  	s9 =	sadd.s32 $0x4000, s8;
	s10 =	sadd.s32 $0x8000, s8;
	s11 =	sadd.s32 $0xC000, s8  }
0xf: {  	s12 =	sadd.s32 $0x10000, s8;
	s14 =	sadd.s32 $0x33800, s14;
	s21 =	sshrl.u32 s8, $0x3  }
.LBB2_1:
0x10: {  	[tilespmem:s16], [sflag:$0x2] =	stream.linear.gather [hbm4b:s7+s4], $0x4000, $0x38;
	[tilespmem:$0x18100] =	vst v63  }
0x11: {  	_ =	swait.ge [sflag:s17], $0x4000  }
0x12: {  	[sflag:s17] =	ssyncset.done $0x0  }
0x13: {  	[sflag:s17] =	ssyncadd.s32 $0xFFFFC000  }
0x14: {  	[spmem:s8] =	stream.linear.scatter [tilespmem:s16], [sflag:$0x2], $0x4000, $0x38;
	[tilespmem:$0x18100] =	vst v63  }
0x15: {  	_ =	swait.ge [sflag:s17], $0x4000  }
0x16: {  	[sflag:s17] =	ssyncset.done $0x0  }
0x17: {  	[sflag:s17] =	ssyncadd.s32 $0xFFFFC000  }
0x18: {  	[spmem:s9] =	stream.linear.scatter [tilespmem:s16], [sflag:$0x2], $0x4000, $0x38;
	[tilespmem:$0x18100] =	vst v63  }
0x19: {  	_ =	swait.ge [sflag:s17], $0x4000  }
0x1a: {  	[sflag:s17] =	ssyncset.done $0x0  }
0x1b: {  	[sflag:s17] =	ssyncadd.s32 $0xFFFFC000  }
0x1c: {  	[spmem:s10] =	stream.linear.scatter [tilespmem:s16], [sflag:$0x2], $0x4000, $0x38;
	[tilespmem:$0x18100] =	vst v63  }
0x1d: {  	_ =	swait.ge [sflag:s17], $0x4000  }
0x1e: {  	[sflag:s17] =	ssyncset.done $0x0  }
0x1f: {  	[sflag:s17] =	ssyncadd.s32 $0xFFFFC000  }
0x20: {  	[spmem:s11] =	stream.linear.scatter [tilespmem:s16], [sflag:$0x2], $0x4000, $0x38;
	[tilespmem:$0x18100] =	vst v63  }
0x21: {  	_ =	swait.ge [sflag:s17], $0x4000  }
0x22: {  	[sflag:s17] =	ssyncset.done $0x0  }
0x23: {  	s23 =	sand.u32 $0x3C00, s4;
	[sflag:s17] =	ssyncadd.s32 $0xFFFFC000  }
0x24: {  	[spmem:s12] =	stream.linear.scatter [tilespmem:s16], [sflag:$0x2], $0x4000, $0x38;
	[tilespmem:$0x18100] =	vst v63  }
0x25: {  	s24 =	sand.u32 $0x380, s4;
	s23 =	sadd.s32 s13, s23;
	_ =	swait.ge [sflag:s17], $0x4000  }
0x26: {  	s23 =	sor.u32 s24, s23;
	[sflag:s17] =	ssyncset.done $0x0  }
0x27: {  	s23 =	sshrl.u32 s23, $0x3;
	[sflag:s17] =	ssyncadd.s32 $0xFFFFC000  }
0x28: {  	s29 =	sadd.s32 s2, s23;
	[bflag:$0x0] =	sbarrier.arrive $0xFFFF  }
0x29: {  	[tilespmem:s4], [sflag:$0x2] =	stream.linear.gather [hbm4b:s29+s4], $0x80, $0x38;
	[tilespmem:$0x18100] =	vst v63  }
0x2a: {  	_ =	swait.ge [sflag:s17], $0x80  }
0x2b: {  	[sflag:s17] =	ssyncset.done $0x0  }
0x2c: {  	s23 =	sadd.s32 s6, s23;
	[sflag:s17] =	ssyncadd.s32 $0xFFFFFF80  }
0x2d: {  	[tilespmem:s18], [sflag:$0x2] =	stream.linear.gather [hbm4b:s23+s4], $0x80, $0x38;
	[tilespmem:$0x18100] =	vst v63  }
0x2e: {  	_ =	swait.ge [sflag:s17], $0x80  }
0x2f: {  	[sflag:s17] =	ssyncset.done $0x0  }
0x30: {  	[sflag:s17] =	ssyncadd.s32 $0xFFFFFF80  }
0x31: {  	[tilespmem:s16], [sflag:$0x1] =	stream.indirect.gather [hbm4b:s5+s18], $0x80, s4, s18, $0xb8;
	[tilespmem:$0x18100] =	vst v63  }
0x32: {  	_ =	swait.ge [sflag:s19], $0x4000  }
0x33: {  	s30 =	simm.s32 $0x80;
	[sflag:s19] =	ssyncset.done $0x0  }
0x34: {  	s31 =	sand.u32 $0x3C00, s30;
	[sflag:s19] =	ssyncadd.s32 $0xFFFFC000  }
0x35: {  	[spmem:s3] =	stream.indirect.scatter.add.f32 [tilespmem:s16], [sflag:$0x2], $0x80, s18, s18, $0xb8;
	[tilespmem:$0x18100] =	vst v63  }
0x36: {  	s25 =	sand.u32 $0x380, s30;
	s24 =	sadd.s32 s13, s31;
	_ =	swait.ge [sflag:s17], $0x4000  }
0x37: {  	s24 =	sor.u32 s25, s24;
	s23 =	simm.s32 $0x100;
	[sflag:s17] =	ssyncset.done $0x0  }
.LBB2_2:
0x38: {  	s24 =	sshrl.u32 s24, $0x3  }
0x39: {  	[sflag:s17] =	ssyncadd.s32 $0xFFFFC000;
	s25 =	smov.u32 s23;
	s26 =	sadd.s32 $0x80, s23  }
0x3a: {  	p0 =	sne.s32 s23, $0x2700;
	s23 =	sadd.s32 s2, s24  }
0x3b: {  	[tilespmem:s4], [sflag:$0x2] =	stream.linear.gather [hbm4b:s23+s4], $0x80, $0x38;
	[tilespmem:$0x18100] =	vst v63  }
0x3c: {  	_ =	swait.ge [sflag:s17], $0x80  }
0x3d: {  	[sflag:s17] =	ssyncset.done $0x0  }
0x3e: {  	s23 =	sadd.s32 s6, s24;
	[sflag:s17] =	ssyncadd.s32 $0xFFFFFF80  }
0x3f: {  	[tilespmem:s18], [sflag:$0x2] =	stream.linear.gather [hbm4b:s23+s4], $0x80, $0x38;
	[tilespmem:$0x18100] =	vst v63  }
0x40: {  	_ =	swait.ge [sflag:s17], $0x80  }
0x41: {  	[sflag:s17] =	ssyncset.done $0x0  }
0x42: {  	[sflag:s17] =	ssyncadd.s32 $0xFFFFFF80  }
0x43: {  	[tilespmem:s16], [sflag:$0x1] =	stream.indirect.gather [hbm4b:s5+s18], $0x80, s4, s18, $0xb8;
	[tilespmem:$0x18100] =	vst v63  }
0x44: {  	_ =	swait.ge [sflag:s19], $0x4000  }
.Ltmp0:
0x45: {  	[sflag:s19] =	ssyncset.done $0x0;
	(pc) =	sbr.rel @p0 .LBB2_2-.Ltmp0, $4  }
0x46: {  	s23 =	sand.u32 $0x3C00, s25;
	[sflag:s19] =	ssyncadd.s32 $0xFFFFC000  }
0x47: {  	[spmem:s3] =	stream.indirect.scatter.add.f32 [tilespmem:s16], [sflag:$0x2], $0x80, s18, s18, $0xb8;
	[tilespmem:$0x18100] =	vst v63  }
0x48: {  	s24 =	sand.u32 $0x380, s25;
	s23 =	sadd.s32 s13, s23;
	_ =	swait.ge [sflag:s17], $0x4000  }
0x49: {  	s24 =	sor.u32 s24, s23;
	s23 =	smov.u32 s26;
	[sflag:s17] =	ssyncset.done $0x0  }
0x4a: {  	s23 =	sshrl.u32 s24, $0x3  }
0x4b: {  	[sflag:s17] =	ssyncadd.s32 $0xFFFFC000;
	s24 =	sadd.s32 s2, s23  }
0x4c: {  	[tilespmem:s4], [sflag:$0x2] =	stream.linear.gather [hbm4b:s24+s4], $0x80, $0x38;
	[tilespmem:$0x18100] =	vst v63  }
0x4d: {  	_ =	swait.ge [sflag:s17], $0x80  }
0x4e: {  	[sflag:s17] =	ssyncset.done $0x0  }
0x4f: {  	s23 =	sadd.s32 s6, s23;
	[sflag:s17] =	ssyncadd.s32 $0xFFFFFF80  }
0x50: {  	[tilespmem:s18], [sflag:$0x2] =	stream.linear.gather [hbm4b:s23+s4], $0x80, $0x38;
	[tilespmem:$0x18100] =	vst v63  }
0x51: {  	_ =	swait.ge [sflag:s17], $0x80  }
0x52: {  	[sflag:s17] =	ssyncset.done $0x0  }
0x53: {  	[sflag:s17] =	ssyncadd.s32 $0xFFFFFF80  }
0x54: {  	[tilespmem:s16], [sflag:$0x1] =	stream.indirect.gather [hbm4b:s5+s18], $0x80, s4, s18, $0xb8;
	[tilespmem:$0x18100] =	vst v63  }
0x55: {  	_ =	swait.ge [sflag:s19], $0x4000  }
0x56: {  	[sflag:s19] =	ssyncset.done $0x0  }
0x57: {  	[sflag:s19] =	ssyncadd.s32 $0xFFFFC000  }
0x58: {  	[spmem:s3] =	stream.indirect.scatter.add.f32 [tilespmem:s16], [sflag:$0x2], $0x80, s18, s18, $0xb8;
	[tilespmem:$0x18100] =	vst v63  }
0x59: {  	_ =	swait.ge [sflag:s17], $0x4000  }
0x5a: {  	s22 =	sadd.s32 $0x1, s22;
	[sflag:s17] =	ssyncset.done $0x0  }
0x5b: {  	p0 =	sne.s32 s22, s15;
	[sflag:s17] =	ssyncadd.s32 $0xFFFFC000  }
.Ltmp1:
0x5c: {  	[bflag:$0x0] =	sbarrier.arrive $0xFFFF;
	(pc) =	sbr.rel @p0 .LBB2_1-.Ltmp1, $4  }
0x5d: {  	[hbm:s14], [sflag:s20] =	dma.local [spmem:s21], $0x2800  }
0x5e: {  	_ =	swait.ge [sflag:s17], $0x2800  }
0x5f: {  	[sflag:s17] =	ssyncset.done $0x0  }
0x60: {  	[sflag:s17] =	ssyncadd.s32 $0xFFFFD800  }
0x61: {  	_ =	sfence.sel $0x180000  }
0x62: {  	[bflag:$0x0] =	sbarrier.arrive $0xFFFF  }
0x63: {  	p0 =	sne.s32 s1, $0x0;
	_ =	strace $0x90000047  }
0x64: {  	s0 =	sadd.s32 @!p0 $0x100000, s0;
	[bflag:$0x2] =	sbarrier.arrive $0xFFFF  }
0x65: {  	[sflag:s0] =	ssyncadd.tile.s32 @!p0 $0x1;
	_ =	shalt  }
.Lfunc_end2:
_tile_overlayer_lowered:
.L_overlay_start_2:
0x66: {  	(tag) =	ssettag $0x2  }
0x67: {  	s0 =	rddreg [dreg:$0x0];
	s2 =	stileid.u32  }
0x68: {  	s1 =	rddreg [dreg:$0x1];
	p0 =	sne.s32 s2, $0x0  }
0x69: {  	s3 =	rddreg [dreg:$0x2];
	[bflag:$0x3] =	sbarrier.arrive $0xFFFF;
	s2 =	simm.s32 @!p0 $0x1C02  }
0x6a: {  	[timem:s3], [sflag:s2] =	dma.local @!p0 [hbm:s0], s1  }
0x6b: {  	s0 =	simm.s32 @!p0 $0x2  }
0x6c: {  	_ =	swait.ge @!p0 [sflag:s0], s1  }
0x6d: {  	s1 =	ssub.s32 @!p0 $0x0, s1;
	[sflag:s0] =	ssyncset.done @!p0 $0x0  }
0x6e: {  	[sflag:s0] =	ssyncadd.s32 @!p0 s1  }
0x6f: {  	[bflag:$0x3] =	sbarrier.arrive $0xFFFF  }
0x70: {  	_ =	shalt  }

</sc_bundles>
